<compile_context>
chip_gen: v7x
topology: tpu7x:2x2x1
jax: 0.10.2.dev20260603
libtpu: 0.0.44.dev20260713+nightly
codegen_flags: <defaults>
</compile_context>

<pallas_src>
import jax
import jax.numpy as jnp
from jax import lax
from jax.experimental import pallas as pl
from jax.experimental.pallas import tpu as pltpu
from jax.experimental.pallas import tpu_sc as plsc

N = 10000
E = 320000
D = 128

NC = 2
NS = 16
EPT = E // (NC * NS)
CH = 104
NCH = 96
TAIL = EPT - CH * NCH
IR = 8
NBUF = 3
N3 = 10240
RPT = N3 // NS


def _mesh():
  return plsc.VectorSubcoreMesh(
      core_axis_name="c", subcore_axis_name="s", num_cores=NC, num_subcores=NS
  )


def _deg_body(col_hbm, degp_hbm, idx_r, idx_t, ones_v, zero_v, sem_i, sem_s,
              deg_sh):
  cid = lax.axis_index("c")
  sid = lax.axis_index("s")
  for i in range(8):
    ones_v[pl.ds(i * 16, 16)] = jnp.ones((16,), jnp.float32)
  for i in range(RPT // 16):
    zero_v[pl.ds(i * 16, 16)] = jnp.zeros((16,), jnp.float32)

  base = pl.multiple_of((cid * NS + sid) * EPT, 8)

  def idx_load(j, slot):
    return pltpu.make_async_copy(
        col_hbm.at[pl.ds(pl.multiple_of(base + j * CH, 8), CH)],
        idx_r.at[slot],
        sem_i,
    )

  def scat(slot):
    return pltpu.make_async_copy(
        ones_v.at[pl.ds(0, CH)], deg_sh.at[idx_r.at[slot]], sem_s
    )

  pltpu.sync_copy(zero_v, deg_sh.at[pl.ds(sid * RPT, RPT)])
  for j in range(3):
    idx_load(j, j).start()
  plsc.subcore_barrier()

  def step(j, carry):
    @pl.when(j + 3 < NCH)
    def _():
      idx_load(j + 3, lax.rem(j + 3, IR)).start()

    s = lax.rem(j, IR)
    idx_load(j, s).wait()
    pltpu.async_copy(
        ones_v.at[pl.ds(0, CH)], deg_sh.at[idx_r.at[s]], sem_s, add=True
    )

    @pl.when(j >= 2)
    def _():
      scat(lax.rem(j - 2, IR)).wait()

    return carry

  lax.fori_loop(0, NCH, step, 0)
  scat(lax.rem(NCH - 2, IR)).wait()
  scat(lax.rem(NCH - 1, IR)).wait()
  pltpu.sync_copy(col_hbm.at[pl.ds(base + NCH * CH, TAIL)], idx_t)
  pltpu.sync_copy(ones_v.at[pl.ds(0, TAIL)], deg_sh.at[idx_t], add=True)
  plsc.subcore_barrier()
  pltpu.sync_copy(
      deg_sh.at[pl.ds(sid * RPT, RPT)],
      degp_hbm.at[pl.ds(cid * N3 + sid * RPT, RPT)],
  )


_deg_kernel = pl.kernel(
    _deg_body,
    out_type=jax.ShapeDtypeStruct((NC * N3,), jnp.float32),
    mesh=_mesh(),
    scratch_types=[
        pltpu.VMEM((IR, CH), jnp.int32),
        pltpu.VMEM((TAIL,), jnp.int32),
        pltpu.VMEM((128,), jnp.float32),
        pltpu.VMEM((RPT,), jnp.float32),
        pltpu.SemaphoreType.DMA,
        pltpu.SemaphoreType.DMA,
        pltpu.VMEM_SHARED((N3,), jnp.float32),
    ],
)


def _norm_body(x_ref, degc_ref, y_ref, dis_ref):
  deg = degc_ref[:, 0:1] + degc_ref[:, 1:2] + 1.0
  dis = lax.rsqrt(deg)
  dis_ref[...] = dis
  y_ref[...] = x_ref[...] * dis


def _norm(x, degc):
  return pl.pallas_call(
      _norm_body,
      out_shape=(
          jax.ShapeDtypeStruct((N3, D), jnp.float32),
          jax.ShapeDtypeStruct((N3, 1), jnp.float32),
      ),
  )(x, degc)


def _mp_body(
    row_hbm, col_hbm, y_hbm, p_hbm, idxr_r, idxc_r, idxr_t, idxc_t, rows_v,
    sem_i, sem_g, sem_s, acc_sh
):
  cid = lax.axis_index("c")
  sid = lax.axis_index("s")
  base = pl.multiple_of((cid * NS + sid) * EPT, 8)
  rbase = pl.multiple_of(sid * RPT, 8)

  def idx_load(j, slot, which):
    src = row_hbm if which == 0 else col_hbm
    dst = idxr_r if which == 0 else idxc_r
    return pltpu.make_async_copy(
        src.at[pl.ds(pl.multiple_of(base + j * CH, 8), CH)],
        dst.at[slot],
        sem_i,
    )

  def gath(slot, b):
    return pltpu.make_async_copy(
        y_hbm.at[idxr_r.at[slot]], rows_v.at[b, pl.ds(0, CH)], sem_g
    )

  def scat(slot, b):
    return pltpu.make_async_copy(
        rows_v.at[b, pl.ds(0, CH)], acc_sh.at[idxc_r.at[slot]], sem_s
    )

  init_sl = pl.ds(rbase, RPT)
  pltpu.sync_copy(y_hbm.at[init_sl], acc_sh.at[init_sl])
  for j in range(3):
    idx_load(j, j, 0).start()
    idx_load(j, j, 1).start()
  plsc.subcore_barrier()
  for j in range(2):
    idx_load(j, j, 0).wait()
    idx_load(j, j, 1).wait()
    gath(j, j).start()

  def step(j, carry):
    @pl.when(j + 3 < NCH)
    def _():
      s3 = lax.rem(j + 3, IR)
      idx_load(j + 3, s3, 0).start()
      idx_load(j + 3, s3, 1).start()

    s = lax.rem(j, IR)
    b = lax.rem(j, NBUF)
    gath(s, b).wait()
    pltpu.async_copy(
        rows_v.at[b, pl.ds(0, CH)], acc_sh.at[idxc_r.at[s]], sem_s, add=True
    )

    @pl.when(j >= 1)
    def _():
      scat(lax.rem(j - 1, IR), lax.rem(j - 1, NBUF)).wait()

    @pl.when(j + 2 < NCH)
    def _():
      s2 = lax.rem(j + 2, IR)
      idx_load(j + 2, s2, 0).wait()
      idx_load(j + 2, s2, 1).wait()
      gath(s2, lax.rem(j + 2, NBUF)).start()

    return carry

  lax.fori_loop(0, NCH, step, 0)
  scat(lax.rem(NCH - 1, IR), lax.rem(NCH - 1, NBUF)).wait()
  pltpu.sync_copy(row_hbm.at[pl.ds(base + NCH * CH, TAIL)], idxr_t)
  pltpu.sync_copy(col_hbm.at[pl.ds(base + NCH * CH, TAIL)], idxc_t)
  pltpu.async_copy(
      y_hbm.at[idxr_t], rows_v.at[0, pl.ds(0, TAIL)], sem_g
  ).wait()
  pltpu.sync_copy(rows_v.at[0, pl.ds(0, TAIL)], acc_sh.at[idxc_t], add=True)
  plsc.subcore_barrier()
  out_sl = pl.ds(rbase, RPT)
  pltpu.sync_copy(acc_sh.at[out_sl], p_hbm.at[cid, out_sl])


_mp_kernel = pl.kernel(
    _mp_body,
    out_type=jax.ShapeDtypeStruct((NC, N3, D), jnp.float32),
    mesh=_mesh(),
    scratch_types=[
        pltpu.VMEM((IR, CH), jnp.int32),
        pltpu.VMEM((IR, CH), jnp.int32),
        pltpu.VMEM((TAIL,), jnp.int32),
        pltpu.VMEM((TAIL,), jnp.int32),
        pltpu.VMEM((NBUF, CH, D), jnp.float32),
        pltpu.SemaphoreType.DMA,
        pltpu.SemaphoreType.DMA,
        pltpu.SemaphoreType.DMA,
        pltpu.VMEM_SHARED((N3, D), jnp.float32),
    ],
)


def _fin_body(p_ref, y_ref, dis_ref, out_ref):
  out_ref[...] = dis_ref[...] * (p_ref[0] + p_ref[1] - y_ref[...])


def _finalize(p, y, dis):
  fb = 1000
  return pl.pallas_call(
      _fin_body,
      grid=(N // fb,),
      in_specs=[
          pl.BlockSpec((NC, fb, D), lambda i: (0, i, 0)),
          pl.BlockSpec((fb, D), lambda i: (i, 0)),
          pl.BlockSpec((fb, 1), lambda i: (i, 0)),
      ],
      out_specs=pl.BlockSpec((fb, D), lambda i: (i, 0)),
      out_shape=jax.ShapeDtypeStruct((N, D), jnp.float32),
  )(p, y, dis)


def kernel(x, edge_index):
  col = edge_index[1]
  row = edge_index[0]
  x_pad = jnp.pad(x, ((0, N3 - N), (0, 0)))
  degp = _deg_kernel(col)
  degc = degp.reshape(NC, N3).T
  y, dis = _norm(x_pad, degc)
  p = _mp_kernel(row, col, y)
  return _finalize(p, y, dis)

# --- scband reference (transcript-rebuilt; emitter-appended) ---
"""Pipeline reference for scband-mmprompt-23759759082001 (READ-ONLY COPY).

The authoritative reference and input builder live on the scoring server;
editing this copy changes nothing except your own understanding.
"""

import jax, jax.numpy as jnp
import numpy as np

N_NODES = 10000
N_EDGES = 320000
D_FEAT = 128

def setup_inputs(seed: int = 0) -> dict:
    key = jax.random.key(seed)
    k1, k2 = jax.random.split(key, 2)
    x = jax.random.normal(k1, (N_NODES, D_FEAT), dtype=jnp.float32)
    edge_index = jax.random.randint(k2, (2, N_EDGES), 0, N_NODES, dtype=jnp.int32)
    return {"x": x, "edge_index": edge_index}

def reference(x, edge_index):
    # CustomGCNConv.forward: add self-loops, symmetric degree normalization,
    # message = norm * x_j (x_j gathered from source/row), aggr='add' onto col.
    N = x.shape[0]
    loops = jnp.arange(N, dtype=edge_index.dtype)
    ei = jnp.concatenate([edge_index, jnp.stack([loops, loops], axis=0)], axis=1)
    row = ei[0]
    col = ei[1]
    # degree of destination nodes (col), as in torch_geometric.utils.degree
    deg = jax.ops.segment_sum(jnp.ones_like(col, dtype=x.dtype), col, num_segments=N)
    deg_inv_sqrt = jnp.power(deg, -0.5)
    deg_inv_sqrt = jnp.where(jnp.isinf(deg_inv_sqrt), 0.0, deg_inv_sqrt)
    norm = deg_inv_sqrt[row] * deg_inv_sqrt[col]
    msg = norm[:, None] * x[row]
    out = jax.ops.segment_sum(msg, col, num_segments=N)
    return out

if __name__ == "__main__":
    import jax
    _d = setup_inputs()
    print(jax.jit(kernel)(*tuple(_d.values())))

</pallas_src>

<mosaic_0001>
#map = affine_map<(d0, d1) -> (0)>
module attributes {stable_mosaic.version = 14 : i64} {
  func.func @_deg_body(%arg0: i32, %arg1: i32, %arg2: memref<320000xi32, #tpu.memory_space<hbm>>, %arg3: memref<20480xf32, #tpu.memory_space<hbm>>, %arg4: memref<8x104xi32, #tpu.memory_space<vmem>>, %arg5: memref<16xi32, #tpu.memory_space<vmem>>, %arg6: memref<128xf32, #tpu.memory_space<vmem>>, %arg7: memref<640xf32, #tpu.memory_space<vmem>>, %arg8: memref<!tpu.dma_semaphore, #tpu.memory_space<semaphore_mem>>, %arg9: memref<!tpu.dma_semaphore, #tpu.memory_space<semaphore_mem>>, %arg10: memref<10240xf32, #tpu.memory_space<vmem_shared>>) attributes {dimension_semantics = [#tpu.dimension_semantics<core_parallel>, #tpu.dimension_semantics<subcore_parallel>], iteration_bounds = array<i64: 2, 16>, scalar_prefetch = 0 : i64, scratch_operands = 7 : i64, tpu.core_type = #tpu.core_type<sc_vector_subcore>, window_params = [{transform_indices = #map}, {transform_indices = #map}]} {
    %broadcast_in_dim3A = arith.constant 1.000000e+00 : f32
    %broadcast_in_dim3A_0 = vector.broadcast %broadcast_in_dim3A : f32 to vector<16xf32>
    %swap3A = arith.constant 0 : index
    %swap3A_1 = tpu.vector_load %arg6[%swap3A] {strides = array<i32>} : memref<128xf32, #tpu.memory_space<vmem>>, vector<16xf32>,
    %swap3A_2 = vector.shape_cast %swap3A_1 : vector<16xf32> to vector<16xf32>
    %swap3A_3 = vector.shape_cast %broadcast_in_dim3A_0 : vector<16xf32> to vector<16xf32>
    tpu.vector_store %arg6[%swap3A], %swap3A_3 {strides = array<i32>} : memref<128xf32, #tpu.memory_space<vmem>>, vector<16xf32>,
    %broadcast_in_dim3A_4 = arith.constant 1.000000e+00 : f32
    %broadcast_in_dim3A_5 = vector.broadcast %broadcast_in_dim3A_4 : f32 to vector<16xf32>
    %swap3A_6 = arith.constant 16 : index
    %swap3A_7 = tpu.vector_load %arg6[%swap3A_6] {strides = array<i32>} : memref<128xf32, #tpu.memory_space<vmem>>, vector<16xf32>,
    %swap3A_8 = vector.shape_cast %swap3A_7 : vector<16xf32> to vector<16xf32>
    %swap3A_9 = vector.shape_cast %broadcast_in_dim3A_5 : vector<16xf32> to vector<16xf32>
    tpu.vector_store %arg6[%swap3A_6], %swap3A_9 {strides = array<i32>} : memref<128xf32, #tpu.memory_space<vmem>>, vector<16xf32>,
    %broadcast_in_dim3A_10 = arith.constant 1.000000e+00 : f32
    %broadcast_in_dim3A_11 = vector.broadcast %broadcast_in_dim3A_10 : f32 to vector<16xf32>
    %swap3A_12 = arith.constant 32 : index
    %swap3A_13 = tpu.vector_load %arg6[%swap3A_12] {strides = array<i32>} : memref<128xf32, #tpu.memory_space<vmem>>, vector<16xf32>,
    %swap3A_14 = vector.shape_cast %swap3A_13 : vector<16xf32> to vector<16xf32>
    %swap3A_15 = vector.shape_cast %broadcast_in_dim3A_11 : vector<16xf32> to vector<16xf32>
    tpu.vector_store %arg6[%swap3A_12], %swap3A_15 {strides = array<i32>} : memref<128xf32, #tpu.memory_space<vmem>>, vector<16xf32>,
    %broadcast_in_dim3A_16 = arith.constant 1.000000e+00 : f32
    %broadcast_in_dim3A_17 = vector.broadcast %broadcast_in_dim3A_16 : f32 to vector<16xf32>
    %swap3A_18 = arith.constant 48 : index
    %swap3A_19 = tpu.vector_load %arg6[%swap3A_18] {strides = array<i32>} : memref<128xf32, #tpu.memory_space<vmem>>, vector<16xf32>,
    %swap3A_20 = vector.shape_cast %swap3A_19 : vector<16xf32> to vector<16xf32>
    %swap3A_21 = vector.shape_cast %broadcast_in_dim3A_17 : vector<16xf32> to vector<16xf32>
    tpu.vector_store %arg6[%swap3A_18], %swap3A_21 {strides = array<i32>} : memref<128xf32, #tpu.memory_space<vmem>>, vector<16xf32>,
    %broadcast_in_dim3A_22 = arith.constant 1.000000e+00 : f32
    %broadcast_in_dim3A_23 = vector.broadcast %broadcast_in_dim3A_22 : f32 to vector<16xf32>
    %swap3A_24 = arith.constant 64 : index
    %swap3A_25 = tpu.vector_load %arg6[%swap3A_24] {strides = array<i32>} : memref<128xf32, #tpu.memory_space<vmem>>, vector<16xf32>,
    %swap3A_26 = vector.shape_cast %swap3A_25 : vector<16xf32> to vector<16xf32>
    %swap3A_27 = vector.shape_cast %broadcast_in_dim3A_23 : vector<16xf32> to vector<16xf32>
    tpu.vector_store %arg6[%swap3A_24], %swap3A_27 {strides = array<i32>} : memref<128xf32, #tpu.memory_space<vmem>>, vector<16xf32>,
    %broadcast_in_dim3A_28 = arith.constant 1.000000e+00 : f32
    %broadcast_in_dim3A_29 = vector.broadcast %broadcast_in_dim3A_28 : f32 to vector<16xf32>
    %swap3A_30 = arith.constant 80 : index
    %swap3A_31 = tpu.vector_load %arg6[%swap3A_30] {strides = array<i32>} : memref<128xf32, #tpu.memory_space<vmem>>, vector<16xf32>,
    %swap3A_32 = vector.shape_cast %swap3A_31 : vector<16xf32> to vector<16xf32>
    %swap3A_33 = vector.shape_cast %broadcast_in_dim3A_29 : vector<16xf32> to vector<16xf32>
    tpu.vector_store %arg6[%swap3A_30], %swap3A_33 {strides = array<i32>} : memref<128xf32, #tpu.memory_space<vmem>>, vector<16xf32>,
    %broadcast_in_dim3A_34 = arith.constant 1.000000e+00 : f32
    %broadcast_in_dim3A_35 = vector.broadcast %broadcast_in_dim3A_34 : f32 to vector<16xf32>
    %swap3A_36 = arith.constant 96 : index
    %swap3A_37 = tpu.vector_load %arg6[%swap3A_36] {strides = array<i32>} : memref<128xf32, #tpu.memory_space<vmem>>, vector<16xf32>,
    %swap3A_38 = vector.shape_cast %swap3A_37 : vector<16xf32> to vector<16xf32>
    %swap3A_39 = vector.shape_cast %broadcast_in_dim3A_35 : vector<16xf32> to vector<16xf32>
    tpu.vector_store %arg6[%swap3A_36], %swap3A_39 {strides = array<i32>} : memref<128xf32, #tpu.memory_space<vmem>>, vector<16xf32>,
    %broadcast_in_dim3A_40 = arith.constant 1.000000e+00 : f32
    %broadcast_in_dim3A_41 = vector.broadcast %broadcast_in_dim3A_40 : f32 to vector<16xf32>
    %swap3A_42 = arith.constant 112 : index
    %swap3A_43 = tpu.vector_load %arg6[%swap3A_42] {strides = array<i32>} : memref<128xf32, #tpu.memory_space<vmem>>, vector<16xf32>,
    %swap3A_44 = vector.shape_cast %swap3A_43 : vector<16xf32> to vector<16xf32>
    %swap3A_45 = vector.shape_cast %broadcast_in_dim3A_41 : vector<16xf32> to vector<16xf32>
    tpu.vector_store %arg6[%swap3A_42], %swap3A_45 {strides = array<i32>} : memref<128xf32, #tpu.memory_space<vmem>>, vector<16xf32>,
    %broadcast_in_dim3A_46 = arith.constant 0.000000e+00 : f32
    %broadcast_in_dim3A_47 = vector.broadcast %broadcast_in_dim3A_46 : f32 to vector<16xf32>
    %swap3A_48 = arith.constant 0 : index
    %swap3A_49 = tpu.vector_load %arg7[%swap3A_48] {strides = array<i32>} : memref<640xf32, #tpu.memory_space<vmem>>, vector<16xf32>,
    %swap3A_50 = vector.shape_cast %swap3A_49 : vector<16xf32> to vector<16xf32>
    %swap3A_51 = vector.shape_cast %broadcast_in_dim3A_47 : vector<16xf32> to vector<16xf32>
    tpu.vector_store %arg7[%swap3A_48], %swap3A_51 {strides = array<i32>} : memref<640xf32, #tpu.memory_space<vmem>>, vector<16xf32>,
    %broadcast_in_dim3A_52 = arith.constant 0.000000e+00 : f32
    %broadcast_in_dim3A_53 = vector.broadcast %broadcast_in_dim3A_52 : f32 to vector<16xf32>
    %swap3A_54 = arith.constant 16 : index
    %swap3A_55 = tpu.vector_load %arg7[%swap3A_54] {strides = array<i32>} : memref<640xf32, #tpu.memory_space<vmem>>, vector<16xf32>,
    %swap3A_56 = vector.shape_cast %swap3A_55 : vector<16xf32> to vector<16xf32>
    %swap3A_57 = vector.shape_cast %broadcast_in_dim3A_53 : vector<16xf32> to vector<16xf32>
    tpu.vector_store %arg7[%swap3A_54], %swap3A_57 {strides = array<i32>} : memref<640xf32, #tpu.memory_space<vmem>>, vector<16xf32>,
    %broadcast_in_dim3A_58 = arith.constant 0.000000e+00 : f32
    %broadcast_in_dim3A_59 = vector.broadcast %broadcast_in_dim3A_58 : f32 to vector<16xf32>
    %swap3A_60 = arith.constant 32 : index
    %swap3A_61 = tpu.vector_load %arg7[%swap3A_60] {strides = array<i32>} : memref<640xf32, #tpu.memory_space<vmem>>, vector<16xf32>,
    %swap3A_62 = vector.shape_cast %swap3A_61 : vector<16xf32> to vector<16xf32>
    %swap3A_63 = vector.shape_cast %broadcast_in_dim3A_59 : vector<16xf32> to vector<16xf32>
    tpu.vector_store %arg7[%swap3A_60], %swap3A_63 {strides = array<i32>} : memref<640xf32, #tpu.memory_space<vmem>>, vector<16xf32>,
    %broadcast_in_dim3A_64 = arith.constant 0.000000e+00 : f32
    %broadcast_in_dim3A_65 = vector.broadcast %broadcast_in_dim3A_64 : f32 to vector<16xf32>
    %swap3A_66 = arith.constant 48 : index
    %swap3A_67 = tpu.vector_load %arg7[%swap3A_66] {strides = array<i32>} : memref<640xf32, #tpu.memory_space<vmem>>, vector<16xf32>,
    %swap3A_68 = vector.shape_cast %swap3A_67 : vector<16xf32> to vector<16xf32>
    %swap3A_69 = vector.shape_cast %broadcast_in_dim3A_65 : vector<16xf32> to vector<16xf32>
    tpu.vector_store %arg7[%swap3A_66], %swap3A_69 {strides = array<i32>} : memref<640xf32, #tpu.memory_space<vmem>>, vector<16xf32>,
    %broadcast_in_dim3A_70 = arith.constant 0.000000e+00 : f32
    %broadcast_in_dim3A_71 = vector.broadcast %broadcast_in_dim3A_70 : f32 to vector<16xf32>
    %swap3A_72 = arith.constant 64 : index
    %swap3A_73 = tpu.vector_load %arg7[%swap3A_72] {strides = array<i32>} : memref<640xf32, #tpu.memory_space<vmem>>, vector<16xf32>,
    %swap3A_74 = vector.shape_cast %swap3A_73 : vector<16xf32> to vector<16xf32>
    %swap3A_75 = vector.shape_cast %broadcast_in_dim3A_71 : vector<16xf32> to vector<16xf32>
    tpu.vector_store %arg7[%swap3A_72], %swap3A_75 {strides = array<i32>} : memref<640xf32, #tpu.memory_space<vmem>>, vector<16xf32>,
    %broadcast_in_dim3A_76 = arith.constant 0.000000e+00 : f32
    %broadcast_in_dim3A_77 = vector.broadcast %broadcast_in_dim3A_76 : f32 to vector<16xf32>
    %swap3A_78 = arith.constant 80 : index
    %swap3A_79 = tpu.vector_load %arg7[%swap3A_78] {strides = array<i32>} : memref<640xf32, #tpu.memory_space<vmem>>, vector<16xf32>,
    %swap3A_80 = vector.shape_cast %swap3A_79 : vector<16xf32> to vector<16xf32>
    %swap3A_81 = vector.shape_cast %broadcast_in_dim3A_77 : vector<16xf32> to vector<16xf32>
    tpu.vector_store %arg7[%swap3A_78], %swap3A_81 {strides = array<i32>} : memref<640xf32, #tpu.memory_space<vmem>>, vector<16xf32>,
    %broadcast_in_dim3A_82 = arith.constant 0.000000e+00 : f32
    %broadcast_in_dim3A_83 = vector.broadcast %broadcast_in_dim3A_82 : f32 to vector<16xf32>
    %swap3A_84 = arith.constant 96 : index
    %swap3A_85 = tpu.vector_load %arg7[%swap3A_84] {strides = array<i32>} : memref<640xf32, #tpu.memory_space<vmem>>, vector<16xf32>,
    %swap3A_86 = vector.shape_cast %swap3A_85 : vector<16xf32> to vector<16xf32>
    %swap3A_87 = vector.shape_cast %broadcast_in_dim3A_83 : vector<16xf32> to vector<16xf32>
    tpu.vector_store %arg7[%swap3A_84], %swap3A_87 {strides = array<i32>} : memref<640xf32, #tpu.memory_space<vmem>>, vector<16xf32>,
    %broadcast_in_dim3A_88 = arith.constant 0.000000e+00 : f32
    %broadcast_in_dim3A_89 = vector.broadcast %broadcast_in_dim3A_88 : f32 to vector<16xf32>
    %swap3A_90 = arith.constant 112 : index
    %swap3A_91 = tpu.vector_load %arg7[%swap3A_90] {strides = array<i32>} : memref<640xf32, #tpu.memory_space<vmem>>, vector<16xf32>,
    %swap3A_92 = vector.shape_cast %swap3A_91 : vector<16xf32> to vector<16xf32>
    %swap3A_93 = vector.shape_cast %broadcast_in_dim3A_89 : vector<16xf32> to vector<16xf32>
    tpu.vector_store %arg7[%swap3A_90], %swap3A_93 {strides = array<i32>} : memref<640xf32, #tpu.memory_space<vmem>>, vector<16xf32>,
    %broadcast_in_dim3A_94 = arith.constant 0.000000e+00 : f32
    %broadcast_in_dim3A_95 = vector.broadcast %broadcast_in_dim3A_94 : f32 to vector<16xf32>
    %swap3A_96 = arith.constant 128 : index
    %swap3A_97 = tpu.vector_load %arg7[%swap3A_96] {strides = array<i32>} : memref<640xf32, #tpu.memory_space<vmem>>, vector<16xf32>,
    %swap3A_98 = vector.shape_cast %swap3A_97 : vector<16xf32> to vector<16xf32>
    %swap3A_99 = vector.shape_cast %broadcast_in_dim3A_95 : vector<16xf32> to vector<16xf32>
    tpu.vector_store %arg7[%swap3A_96], %swap3A_99 {strides = array<i32>} : memref<640xf32, #tpu.memory_space<vmem>>, vector<16xf32>,
    %broadcast_in_dim3A_100 = arith.constant 0.000000e+00 : f32
    %broadcast_in_dim3A_101 = vector.broadcast %broadcast_in_dim3A_100 : f32 to vector<16xf32>
    %swap3A_102 = arith.constant 144 : index
    %swap3A_103 = tpu.vector_load %arg7[%swap3A_102] {strides = array<i32>} : memref<640xf32, #tpu.memory_space<vmem>>, vector<16xf32>,
    %swap3A_104 = vector.shape_cast %swap3A_103 : vector<16xf32> to vector<16xf32>
    %swap3A_105 = vector.shape_cast %broadcast_in_dim3A_101 : vector<16xf32> to vector<16xf32>
    tpu.vector_store %arg7[%swap3A_102], %swap3A_105 {strides = array<i32>} : memref<640xf32, #tpu.memory_space<vmem>>, vector<16xf32>,
    %broadcast_in_dim3A_106 = arith.constant 0.000000e+00 : f32
    %broadcast_in_dim3A_107 = vector.broadcast %broadcast_in_dim3A_106 : f32 to vector<16xf32>
    %swap3A_108 = arith.constant 160 : index
    %swap3A_109 = tpu.vector_load %arg7[%swap3A_108] {strides = array<i32>} : memref<640xf32, #tpu.memory_space<vmem>>, vector<16xf32>,
    %swap3A_110 = vector.shape_cast %swap3A_109 : vector<16xf32> to vector<16xf32>
    %swap3A_111 = vector.shape_cast %broadcast_in_dim3A_107 : vector<16xf32> to vector<16xf32>
    tpu.vector_store %arg7[%swap3A_108], %swap3A_111 {strides = array<i32>} : memref<640xf32, #tpu.memory_space<vmem>>, vector<16xf32>,
    %broadcast_in_dim3A_112 = arith.constant 0.000000e+00 : f32
    %broadcast_in_dim3A_113 = vector.broadcast %broadcast_in_dim3A_112 : f32 to vector<16xf32>
    %swap3A_114 = arith.constant 176 : index
    %swap3A_115 = tpu.vector_load %arg7[%swap3A_114] {strides = array<i32>} : memref<640xf32, #tpu.memory_space<vmem>>, vector<16xf32>,
    %swap3A_116 = vector.shape_cast %swap3A_115 : vector<16xf32> to vector<16xf32>
    %swap3A_117 = vector.shape_cast %broadcast_in_dim3A_113 : vector<16xf32> to vector<16xf32>
    tpu.vector_store %arg7[%swap3A_114], %swap3A_117 {strides = array<i32>} : memref<640xf32, #tpu.memory_space<vmem>>, vector<16xf32>,
    %broadcast_in_dim3A_118 = arith.constant 0.000000e+00 : f32
    %broadcast_in_dim3A_119 = vector.broadcast %broadcast_in_dim3A_118 : f32 to vector<16xf32>
    %swap3A_120 = arith.constant 192 : index
    %swap3A_121 = tpu.vector_load %arg7[%swap3A_120] {strides = array<i32>} : memref<640xf32, #tpu.memory_space<vmem>>, vector<16xf32>,
    %swap3A_122 = vector.shape_cast %swap3A_121 : vector<16xf32> to vector<16xf32>
    %swap3A_123 = vector.shape_cast %broadcast_in_dim3A_119 : vector<16xf32> to vector<16xf32>
    tpu.vector_store %arg7[%swap3A_120], %swap3A_123 {strides = array<i32>} : memref<640xf32, #tpu.memory_space<vmem>>, vector<16xf32>,
    %broadcast_in_dim3A_124 = arith.constant 0.000000e+00 : f32
    %broadcast_in_dim3A_125 = vector.broadcast %broadcast_in_dim3A_124 : f32 to vector<16xf32>
    %swap3A_126 = arith.constant 208 : index
    %swap3A_127 = tpu.vector_load %arg7[%swap3A_126] {strides = array<i32>} : memref<640xf32, #tpu.memory_space<vmem>>, vector<16xf32>,
    %swap3A_128 = vector.shape_cast %swap3A_127 : vector<16xf32> to vector<16xf32>
    %swap3A_129 = vector.shape_cast %broadcast_in_dim3A_125 : vector<16xf32> to vector<16xf32>
    tpu.vector_store %arg7[%swap3A_126], %swap3A_129 {strides = array<i32>} : memref<640xf32, #tpu.memory_space<vmem>>, vector<16xf32>,
    %broadcast_in_dim3A_130 = arith.constant 0.000000e+00 : f32
    %broadcast_in_dim3A_131 = vector.broadcast %broadcast_in_dim3A_130 : f32 to vector<16xf32>
    %swap3A_132 = arith.constant 224 : index
    %swap3A_133 = tpu.vector_load %arg7[%swap3A_132] {strides = array<i32>} : memref<640xf32, #tpu.memory_space<vmem>>, vector<16xf32>,
    %swap3A_134 = vector.shape_cast %swap3A_133 : vector<16xf32> to vector<16xf32>
    %swap3A_135 = vector.shape_cast %broadcast_in_dim3A_131 : vector<16xf32> to vector<16xf32>
    tpu.vector_store %arg7[%swap3A_132], %swap3A_135 {strides = array<i32>} : memref<640xf32, #tpu.memory_space<vmem>>, vector<16xf32>,
    %broadcast_in_dim3A_136 = arith.constant 0.000000e+00 : f32
    %broadcast_in_dim3A_137 = vector.broadcast %broadcast_in_dim3A_136 : f32 to vector<16xf32>
    %swap3A_138 = arith.constant 240 : index
    %swap3A_139 = tpu.vector_load %arg7[%swap3A_138] {strides = array<i32>} : memref<640xf32, #tpu.memory_space<vmem>>, vector<16xf32>,
    %swap3A_140 = vector.shape_cast %swap3A_139 : vector<16xf32> to vector<16xf32>
    %swap3A_141 = vector.shape_cast %broadcast_in_dim3A_137 : vector<16xf32> to vector<16xf32>
    tpu.vector_store %arg7[%swap3A_138], %swap3A_141 {strides = array<i32>} : memref<640xf32, #tpu.memory_space<vmem>>, vector<16xf32>,
    %broadcast_in_dim3A_142 = arith.constant 0.000000e+00 : f32
    %broadcast_in_dim3A_143 = vector.broadcast %broadcast_in_dim3A_142 : f32 to vector<16xf32>
    %swap3A_144 = arith.constant 256 : index
    %swap3A_145 = tpu.vector_load %arg7[%swap3A_144] {strides = array<i32>} : memref<640xf32, #tpu.memory_space<vmem>>, vector<16xf32>,
    %swap3A_146 = vector.shape_cast %swap3A_145 : vector<16xf32> to vector<16xf32>
    %swap3A_147 = vector.shape_cast %broadcast_in_dim3A_143 : vector<16xf32> to vector<16xf32>
    tpu.vector_store %arg7[%swap3A_144], %swap3A_147 {strides = array<i32>} : memref<640xf32, #tpu.memory_space<vmem>>, vector<16xf32>,
    %broadcast_in_dim3A_148 = arith.constant 0.000000e+00 : f32
    %broadcast_in_dim3A_149 = vector.broadcast %broadcast_in_dim3A_148 : f32 to vector<16xf32>
    %swap3A_150 = arith.constant 272 : index
    %swap3A_151 = tpu.vector_load %arg7[%swap3A_150] {strides = array<i32>} : memref<640xf32, #tpu.memory_space<vmem>>, vector<16xf32>,
    %swap3A_152 = vector.shape_cast %swap3A_151 : vector<16xf32> to vector<16xf32>
    %swap3A_153 = vector.shape_cast %broadcast_in_dim3A_149 : vector<16xf32> to vector<16xf32>
    tpu.vector_store %arg7[%swap3A_150], %swap3A_153 {strides = array<i32>} : memref<640xf32, #tpu.memory_space<vmem>>, vector<16xf32>,
    %broadcast_in_dim3A_154 = arith.constant 0.000000e+00 : f32
    %broadcast_in_dim3A_155 = vector.broadcast %broadcast_in_dim3A_154 : f32 to vector<16xf32>
    %swap3A_156 = arith.constant 288 : index
    %swap3A_157 = tpu.vector_load %arg7[%swap3A_156] {strides = array<i32>} : memref<640xf32, #tpu.memory_space<vmem>>, vector<16xf32>,
    %swap3A_158 = vector.shape_cast %swap3A_157 : vector<16xf32> to vector<16xf32>
    %swap3A_159 = vector.shape_cast %broadcast_in_dim3A_155 : vector<16xf32> to vector<16xf32>
    tpu.vector_store %arg7[%swap3A_156], %swap3A_159 {strides = array<i32>} : memref<640xf32, #tpu.memory_space<vmem>>, vector<16xf32>,
    %broadcast_in_dim3A_160 = arith.constant 0.000000e+00 : f32
    %broadcast_in_dim3A_161 = vector.broadcast %broadcast_in_dim3A_160 : f32 to vector<16xf32>
    %swap3A_162 = arith.constant 304 : index
    %swap3A_163 = tpu.vector_load %arg7[%swap3A_162] {strides = array<i32>} : memref<640xf32, #tpu.memory_space<vmem>>, vector<16xf32>,
    %swap3A_164 = vector.shape_cast %swap3A_163 : vector<16xf32> to vector<16xf32>
    %swap3A_165 = vector.shape_cast %broadcast_in_dim3A_161 : vector<16xf32> to vector<16xf32>
    tpu.vector_store %arg7[%swap3A_162], %swap3A_165 {strides = array<i32>} : memref<640xf32, #tpu.memory_space<vmem>>, vector<16xf32>,
    %broadcast_in_dim3A_166 = arith.constant 0.000000e+00 : f32
    %broadcast_in_dim3A_167 = vector.broadcast %broadcast_in_dim3A_166 : f32 to vector<16xf32>
    %swap3A_168 = arith.constant 320 : index
    %swap3A_169 = tpu.vector_load %arg7[%swap3A_168] {strides = array<i32>} : memref<640xf32, #tpu.memory_space<vmem>>, vector<16xf32>,
    %swap3A_170 = vector.shape_cast %swap3A_169 : vector<16xf32> to vector<16xf32>
    %swap3A_171 = vector.shape_cast %broadcast_in_dim3A_167 : vector<16xf32> to vector<16xf32>
    tpu.vector_store %arg7[%swap3A_168], %swap3A_171 {strides = array<i32>} : memref<640xf32, #tpu.memory_space<vmem>>, vector<16xf32>,
    %broadcast_in_dim3A_172 = arith.constant 0.000000e+00 : f32
    %broadcast_in_dim3A_173 = vector.broadcast %broadcast_in_dim3A_172 : f32 to vector<16xf32>
    %swap3A_174 = arith.constant 336 : index
    %swap3A_175 = tpu.vector_load %arg7[%swap3A_174] {strides = array<i32>} : memref<640xf32, #tpu.memory_space<vmem>>, vector<16xf32>,
    %swap3A_176 = vector.shape_cast %swap3A_175 : vector<16xf32> to vector<16xf32>
    %swap3A_177 = vector.shape_cast %broadcast_in_dim3A_173 : vector<16xf32> to vector<16xf32>
    tpu.vector_store %arg7[%swap3A_174], %swap3A_177 {strides = array<i32>} : memref<640xf32, #tpu.memory_space<vmem>>, vector<16xf32>,
    %broadcast_in_dim3A_178 = arith.constant 0.000000e+00 : f32
    %broadcast_in_dim3A_179 = vector.broadcast %broadcast_in_dim3A_178 : f32 to vector<16xf32>
    %swap3A_180 = arith.constant 352 : index
    %swap3A_181 = tpu.vector_load %arg7[%swap3A_180] {strides = array<i32>} : memref<640xf32, #tpu.memory_space<vmem>>, vector<16xf32>,
    %swap3A_182 = vector.shape_cast %swap3A_181 : vector<16xf32> to vector<16xf32>
    %swap3A_183 = vector.shape_cast %broadcast_in_dim3A_179 : vector<16xf32> to vector<16xf32>
    tpu.vector_store %arg7[%swap3A_180], %swap3A_183 {strides = array<i32>} : memref<640xf32, #tpu.memory_space<vmem>>, vector<16xf32>,
    %broadcast_in_dim3A_184 = arith.constant 0.000000e+00 : f32
    %broadcast_in_dim3A_185 = vector.broadcast %broadcast_in_dim3A_184 : f32 to vector<16xf32>
    %swap3A_186 = arith.constant 368 : index
    %swap3A_187 = tpu.vector_load %arg7[%swap3A_186] {strides = array<i32>} : memref<640xf32, #tpu.memory_space<vmem>>, vector<16xf32>,
    %swap3A_188 = vector.shape_cast %swap3A_187 : vector<16xf32> to vector<16xf32>
    %swap3A_189 = vector.shape_cast %broadcast_in_dim3A_185 : vector<16xf32> to vector<16xf32>
    tpu.vector_store %arg7[%swap3A_186], %swap3A_189 {strides = array<i32>} : memref<640xf32, #tpu.memory_space<vmem>>, vector<16xf32>,
    %broadcast_in_dim3A_190 = arith.constant 0.000000e+00 : f32
    %broadcast_in_dim3A_191 = vector.broadcast %broadcast_in_dim3A_190 : f32 to vector<16xf32>
    %swap3A_192 = arith.constant 384 : index
    %swap3A_193 = tpu.vector_load %arg7[%swap3A_192] {strides = array<i32>} : memref<640xf32, #tpu.memory_space<vmem>>, vector<16xf32>,
    %swap3A_194 = vector.shape_cast %swap3A_193 : vector<16xf32> to vector<16xf32>
    %swap3A_195 = vector.shape_cast %broadcast_in_dim3A_191 : vector<16xf32> to vector<16xf32>
    tpu.vector_store %arg7[%swap3A_192], %swap3A_195 {strides = array<i32>} : memref<640xf32, #tpu.memory_space<vmem>>, vector<16xf32>,
    %broadcast_in_dim3A_196 = arith.constant 0.000000e+00 : f32
    %broadcast_in_dim3A_197 = vector.broadcast %broadcast_in_dim3A_196 : f32 to vector<16xf32>
    %swap3A_198 = arith.constant 400 : index
    %swap3A_199 = tpu.vector_load %arg7[%swap3A_198] {strides = array<i32>} : memref<640xf32, #tpu.memory_space<vmem>>, vector<16xf32>,
    %swap3A_200 = vector.shape_cast %swap3A_199 : vector<16xf32> to vector<16xf32>
    %swap3A_201 = vector.shape_cast %broadcast_in_dim3A_197 : vector<16xf32> to vector<16xf32>
    tpu.vector_store %arg7[%swap3A_198], %swap3A_201 {strides = array<i32>} : memref<640xf32, #tpu.memory_space<vmem>>, vector<16xf32>,
    %broadcast_in_dim3A_202 = arith.constant 0.000000e+00 : f32
    %broadcast_in_dim3A_203 = vector.broadcast %broadcast_in_dim3A_202 : f32 to vector<16xf32>
    %swap3A_204 = arith.constant 416 : index
    %swap3A_205 = tpu.vector_load %arg7[%swap3A_204] {strides = array<i32>} : memref<640xf32, #tpu.memory_space<vmem>>, vector<16xf32>,
    %swap3A_206 = vector.shape_cast %swap3A_205 : vector<16xf32> to vector<16xf32>
    %swap3A_207 = vector.shape_cast %broadcast_in_dim3A_203 : vector<16xf32> to vector<16xf32>
    tpu.vector_store %arg7[%swap3A_204], %swap3A_207 {strides = array<i32>} : memref<640xf32, #tpu.memory_space<vmem>>, vector<16xf32>,
    %broadcast_in_dim3A_208 = arith.constant 0.000000e+00 : f32
    %broadcast_in_dim3A_209 = vector.broadcast %broadcast_in_dim3A_208 : f32 to vector<16xf32>
    %swap3A_210 = arith.constant 432 : index
    %swap3A_211 = tpu.vector_load %arg7[%swap3A_210] {strides = array<i32>} : memref<640xf32, #tpu.memory_space<vmem>>, vector<16xf32>,
    %swap3A_212 = vector.shape_cast %swap3A_211 : vector<16xf32> to vector<16xf32>
    %swap3A_213 = vector.shape_cast %broadcast_in_dim3A_209 : vector<16xf32> to vector<16xf32>
    tpu.vector_store %arg7[%swap3A_210], %swap3A_213 {strides = array<i32>} : memref<640xf32, #tpu.memory_space<vmem>>, vector<16xf32>,
    %broadcast_in_dim3A_214 = arith.constant 0.000000e+00 : f32
    %broadcast_in_dim3A_215 = vector.broadcast %broadcast_in_dim3A_214 : f32 to vector<16xf32>
    %swap3A_216 = arith.constant 448 : index
    %swap3A_217 = tpu.vector_load %arg7[%swap3A_216] {strides = array<i32>} : memref<640xf32, #tpu.memory_space<vmem>>, vector<16xf32>,
    %swap3A_218 = vector.shape_cast %swap3A_217 : vector<16xf32> to vector<16xf32>
    %swap3A_219 = vector.shape_cast %broadcast_in_dim3A_215 : vector<16xf32> to vector<16xf32>
    tpu.vector_store %arg7[%swap3A_216], %swap3A_219 {strides = array<i32>} : memref<640xf32, #tpu.memory_space<vmem>>, vector<16xf32>,
    %broadcast_in_dim3A_220 = arith.constant 0.000000e+00 : f32
    %broadcast_in_dim3A_221 = vector.broadcast %broadcast_in_dim3A_220 : f32 to vector<16xf32>
    %swap3A_222 = arith.constant 464 : index
    %swap3A_223 = tpu.vector_load %arg7[%swap3A_222] {strides = array<i32>} : memref<640xf32, #tpu.memory_space<vmem>>, vector<16xf32>,
    %swap3A_224 = vector.shape_cast %swap3A_223 : vector<16xf32> to vector<16xf32>
    %swap3A_225 = vector.shape_cast %broadcast_in_dim3A_221 : vector<16xf32> to vector<16xf32>
    tpu.vector_store %arg7[%swap3A_222], %swap3A_225 {strides = array<i32>} : memref<640xf32, #tpu.memory_space<vmem>>, vector<16xf32>,
    %broadcast_in_dim3A_226 = arith.constant 0.000000e+00 : f32
    %broadcast_in_dim3A_227 = vector.broadcast %broadcast_in_dim3A_226 : f32 to vector<16xf32>
    %swap3A_228 = arith.constant 480 : index
    %swap3A_229 = tpu.vector_load %arg7[%swap3A_228] {strides = array<i32>} : memref<640xf32, #tpu.memory_space<vmem>>, vector<16xf32>,
    %swap3A_230 = vector.shape_cast %swap3A_229 : vector<16xf32> to vector<16xf32>
    %swap3A_231 = vector.shape_cast %broadcast_in_dim3A_227 : vector<16xf32> to vector<16xf32>
    tpu.vector_store %arg7[%swap3A_228], %swap3A_231 {strides = array<i32>} : memref<640xf32, #tpu.memory_space<vmem>>, vector<16xf32>,
    %broadcast_in_dim3A_232 = arith.constant 0.000000e+00 : f32
    %broadcast_in_dim3A_233 = vector.broadcast %broadcast_in_dim3A_232 : f32 to vector<16xf32>
    %swap3A_234 = arith.constant 496 : index
    %swap3A_235 = tpu.vector_load %arg7[%swap3A_234] {strides = array<i32>} : memref<640xf32, #tpu.memory_space<vmem>>, vector<16xf32>,
    %swap3A_236 = vector.shape_cast %swap3A_235 : vector<16xf32> to vector<16xf32>
    %swap3A_237 = vector.shape_cast %broadcast_in_dim3A_233 : vector<16xf32> to vector<16xf32>
    tpu.vector_store %arg7[%swap3A_234], %swap3A_237 {strides = array<i32>} : memref<640xf32, #tpu.memory_space<vmem>>, vector<16xf32>,
    %broadcast_in_dim3A_238 = arith.constant 0.000000e+00 : f32
    %broadcast_in_dim3A_239 = vector.broadcast %broadcast_in_dim3A_238 : f32 to vector<16xf32>
    %swap3A_240 = arith.constant 512 : index
    %swap3A_241 = tpu.vector_load %arg7[%swap3A_240] {strides = array<i32>} : memref<640xf32, #tpu.memory_space<vmem>>, vector<16xf32>,
    %swap3A_242 = vector.shape_cast %swap3A_241 : vector<16xf32> to vector<16xf32>
    %swap3A_243 = vector.shape_cast %broadcast_in_dim3A_239 : vector<16xf32> to vector<16xf32>
    tpu.vector_store %arg7[%swap3A_240], %swap3A_243 {strides = array<i32>} : memref<640xf32, #tpu.memory_space<vmem>>, vector<16xf32>,
    %broadcast_in_dim3A_244 = arith.constant 0.000000e+00 : f32
    %broadcast_in_dim3A_245 = vector.broadcast %broadcast_in_dim3A_244 : f32 to vector<16xf32>
    %swap3A_246 = arith.constant 528 : index
    %swap3A_247 = tpu.vector_load %arg7[%swap3A_246] {strides = array<i32>} : memref<640xf32, #tpu.memory_space<vmem>>, vector<16xf32>,
    %swap3A_248 = vector.shape_cast %swap3A_247 : vector<16xf32> to vector<16xf32>
    %swap3A_249 = vector.shape_cast %broadcast_in_dim3A_245 : vector<16xf32> to vector<16xf32>
    tpu.vector_store %arg7[%swap3A_246], %swap3A_249 {strides = array<i32>} : memref<640xf32, #tpu.memory_space<vmem>>, vector<16xf32>,
    %broadcast_in_dim3A_250 = arith.constant 0.000000e+00 : f32
    %broadcast_in_dim3A_251 = vector.broadcast %broadcast_in_dim3A_250 : f32 to vector<16xf32>
    %swap3A_252 = arith.constant 544 : index
    %swap3A_253 = tpu.vector_load %arg7[%swap3A_252] {strides = array<i32>} : memref<640xf32, #tpu.memory_space<vmem>>, vector<16xf32>,
    %swap3A_254 = vector.shape_cast %swap3A_253 : vector<16xf32> to vector<16xf32>
    %swap3A_255 = vector.shape_cast %broadcast_in_dim3A_251 : vector<16xf32> to vector<16xf32>
    tpu.vector_store %arg7[%swap3A_252], %swap3A_255 {strides = array<i32>} : memref<640xf32, #tpu.memory_space<vmem>>, vector<16xf32>,
    %broadcast_in_dim3A_256 = arith.constant 0.000000e+00 : f32
    %broadcast_in_dim3A_257 = vector.broadcast %broadcast_in_dim3A_256 : f32 to vector<16xf32>
    %swap3A_258 = arith.constant 560 : index
    %swap3A_259 = tpu.vector_load %arg7[%swap3A_258] {strides = array<i32>} : memref<640xf32, #tpu.memory_space<vmem>>, vector<16xf32>,
    %swap3A_260 = vector.shape_cast %swap3A_259 : vector<16xf32> to vector<16xf32>
    %swap3A_261 = vector.shape_cast %broadcast_in_dim3A_257 : vector<16xf32> to vector<16xf32>
    tpu.vector_store %arg7[%swap3A_258], %swap3A_261 {strides = array<i32>} : memref<640xf32, #tpu.memory_space<vmem>>, vector<16xf32>,
    %broadcast_in_dim3A_262 = arith.constant 0.000000e+00 : f32
    %broadcast_in_dim3A_263 = vector.broadcast %broadcast_in_dim3A_262 : f32 to vector<16xf32>
    %swap3A_264 = arith.constant 576 : index
    %swap3A_265 = tpu.vector_load %arg7[%swap3A_264] {strides = array<i32>} : memref<640xf32, #tpu.memory_space<vmem>>, vector<16xf32>,
    %swap3A_266 = vector.shape_cast %swap3A_265 : vector<16xf32> to vector<16xf32>
    %swap3A_267 = vector.shape_cast %broadcast_in_dim3A_263 : vector<16xf32> to vector<16xf32>
    tpu.vector_store %arg7[%swap3A_264], %swap3A_267 {strides = array<i32>} : memref<640xf32, #tpu.memory_space<vmem>>, vector<16xf32>,
    %broadcast_in_dim3A_268 = arith.constant 0.000000e+00 : f32
    %broadcast_in_dim3A_269 = vector.broadcast %broadcast_in_dim3A_268 : f32 to vector<16xf32>
    %swap3A_270 = arith.constant 592 : index
    %swap3A_271 = tpu.vector_load %arg7[%swap3A_270] {strides = array<i32>} : memref<640xf32, #tpu.memory_space<vmem>>, vector<16xf32>,
    %swap3A_272 = vector.shape_cast %swap3A_271 : vector<16xf32> to vector<16xf32>
    %swap3A_273 = vector.shape_cast %broadcast_in_dim3A_269 : vector<16xf32> to vector<16xf32>
    tpu.vector_store %arg7[%swap3A_270], %swap3A_273 {strides = array<i32>} : memref<640xf32, #tpu.memory_space<vmem>>, vector<16xf32>,
    %broadcast_in_dim3A_274 = arith.constant 0.000000e+00 : f32
    %broadcast_in_dim3A_275 = vector.broadcast %broadcast_in_dim3A_274 : f32 to vector<16xf32>
    %swap3A_276 = arith.constant 608 : index
    %swap3A_277 = tpu.vector_load %arg7[%swap3A_276] {strides = array<i32>} : memref<640xf32, #tpu.memory_space<vmem>>, vector<16xf32>,
    %swap3A_278 = vector.shape_cast %swap3A_277 : vector<16xf32> to vector<16xf32>
    %swap3A_279 = vector.shape_cast %broadcast_in_dim3A_275 : vector<16xf32> to vector<16xf32>
    tpu.vector_store %arg7[%swap3A_276], %swap3A_279 {strides = array<i32>} : memref<640xf32, #tpu.memory_space<vmem>>, vector<16xf32>,
    %broadcast_in_dim3A_280 = arith.constant 0.000000e+00 : f32
    %broadcast_in_dim3A_281 = vector.broadcast %broadcast_in_dim3A_280 : f32 to vector<16xf32>
    %swap3A_282 = arith.constant 624 : index
    %swap3A_283 = tpu.vector_load %arg7[%swap3A_282] {strides = array<i32>} : memref<640xf32, #tpu.memory_space<vmem>>, vector<16xf32>,
    %swap3A_284 = vector.shape_cast %swap3A_283 : vector<16xf32> to vector<16xf32>
    %swap3A_285 = vector.shape_cast %broadcast_in_dim3A_281 : vector<16xf32> to vector<16xf32>
    tpu.vector_store %arg7[%swap3A_282], %swap3A_285 {strides = array<i32>} : memref<640xf32, #tpu.memory_space<vmem>>, vector<16xf32>,
    %mul3A = arith.constant 16 : i32
    %mul3A_286 = arith.muli %arg0, %mul3A : i32
    %add3A = arith.addi %mul3A_286, %arg1 : i32
    %mul3A_287 = arith.constant 10000 : i32
    %mul3A_288 = arith.muli %add3A, %mul3A_287 : i32
    %multiple_of3A = tpu.assume_multiple %mul3A_288, 8 : i32
    %mul3A_289 = arith.constant 640 : i32
    %mul3A_290 = arith.muli %arg1, %mul3A_289 : i32
    "tpu.region"() ({
      %run_scoped3A = tpu.sem_alloc : memref<!tpu.dma_semaphore, #tpu.memory_space<semaphore_mem>>
      %dma_start3A_359 = tpu.memref_slice %arg10[%mul3A_290] : memref<10240xf32, #tpu.memory_space<vmem_shared>> -> memref<640xf32, #tpu.memory_space<vmem_shared>>
      %dma_start3A_360 = tpu.memref_slice %arg10[%mul3A_290] : memref<10240xf32, #tpu.memory_space<vmem_shared>> -> memref<640xf32, #tpu.memory_space<vmem_shared>>
      tpu.enqueue_dma source(%arg7 : memref<640xf32, #tpu.memory_space<vmem>>) target(%dma_start3A_360 : memref<640xf32, #tpu.memory_space<vmem_shared>>) target_semaphore(%run_scoped3A : memref<!tpu.dma_semaphore, #tpu.memory_space<semaphore_mem>>)
      %dma_wait3A_361 = tpu.memref_slice %arg10[%mul3A_290] : memref<10240xf32, #tpu.memory_space<vmem_shared>> -> memref<640xf32, #tpu.memory_space<vmem_shared>>
      %dma_wait3A_362 = tpu.memref_slice %arg10[%mul3A_290] : memref<10240xf32, #tpu.memory_space<vmem_shared>> -> memref<640xf32, #tpu.memory_space<vmem_shared>>
      tpu.wait_dma2 semaphore(%run_scoped3A : memref<!tpu.dma_semaphore, #tpu.memory_space<semaphore_mem>>) src(%arg7 : memref<640xf32, #tpu.memory_space<vmem>>) dst(%dma_wait3A_362 : memref<640xf32, #tpu.memory_space<vmem_shared>>)
      tpu.yield
    }) : () -> ()
    %add3A_291 = arith.constant 0 : i32
    %add3A_292 = arith.addi %multiple_of3A, %add3A_291 : i32
    %multiple_of3A_293 = tpu.assume_multiple %add3A_292, 8 : i32
    %dma_start3A = arith.constant 0 : i32
    %dma_start3A_294 = arith.constant 0 : i32
    %dma_start3A_295 = tpu.memref_slice %arg4[%dma_start3A, %dma_start3A_294] : memref<8x104xi32, #tpu.memory_space<vmem>> -> memref<1x104xi32, #tpu.memory_space<vmem>>
    %dma_start3A_296 = tpu.memref_squeeze %dma_start3A_295 : memref<1x104xi32, #tpu.memory_space<vmem>> -> memref<104xi32, #tpu.memory_space<vmem>>
    %dma_start3A_297 = tpu.memref_slice %arg2[%multiple_of3A_293] : memref<320000xi32, #tpu.memory_space<hbm>> -> memref<104xi32, #tpu.memory_space<hbm>>
    %dma_start3A_298 = arith.constant 0 : i32
    %dma_start3A_299 = tpu.memref_slice %arg4[%dma_start3A, %dma_start3A_298] : memref<8x104xi32, #tpu.memory_space<vmem>> -> memref<1x104xi32, #tpu.memory_space<vmem>>
    %dma_start3A_300 = tpu.memref_squeeze %dma_start3A_299 : memref<1x104xi32, #tpu.memory_space<vmem>> -> memref<104xi32, #tpu.memory_space<vmem>>
    %dma_start3A_301 = tpu.memref_slice %arg2[%multiple_of3A_293] : memref<320000xi32, #tpu.memory_space<hbm>> -> memref<104xi32, #tpu.memory_space<hbm>>
    tpu.enqueue_dma source(%dma_start3A_301 : memref<104xi32, #tpu.memory_space<hbm>>) target(%dma_start3A_300 : memref<104xi32, #tpu.memory_space<vmem>>) target_semaphore(%arg8 : memref<!tpu.dma_semaphore, #tpu.memory_space<semaphore_mem>>)
    %add3A_302 = arith.constant 104 : i32
    %add3A_303 = arith.addi %multiple_of3A, %add3A_302 : i32
    %multiple_of3A_304 = tpu.assume_multiple %add3A_303, 8 : i32
    %dma_start3A_305 = arith.constant 1 : i32
    %dma_start3A_306 = arith.constant 0 : i32
    %dma_start3A_307 = tpu.memref_slice %arg4[%dma_start3A_305, %dma_start3A_306] : memref<8x104xi32, #tpu.memory_space<vmem>> -> memref<1x104xi32, #tpu.memory_space<vmem>>
    %dma_start3A_308 = tpu.memref_squeeze %dma_start3A_307 : memref<1x104xi32, #tpu.memory_space<vmem>> -> memref<104xi32, #tpu.memory_space<vmem>>
    %dma_start3A_309 = tpu.memref_slice %arg2[%multiple_of3A_304] : memref<320000xi32, #tpu.memory_space<hbm>> -> memref<104xi32, #tpu.memory_space<hbm>>
    %dma_start3A_310 = arith.constant 0 : i32
    %dma_start3A_311 = tpu.memref_slice %arg4[%dma_start3A_305, %dma_start3A_310] : memref<8x104xi32, #tpu.memory_space<vmem>> -> memref<1x104xi32, #tpu.memory_space<vmem>>
    %dma_start3A_312 = tpu.memref_squeeze %dma_start3A_311 : memref<1x104xi32, #tpu.memory_space<vmem>> -> memref<104xi32, #tpu.memory_space<vmem>>
    %dma_start3A_313 = tpu.memref_slice %arg2[%multiple_of3A_304] : memref<320000xi32, #tpu.memory_space<hbm>> -> memref<104xi32, #tpu.memory_space<hbm>>
    tpu.enqueue_dma source(%dma_start3A_313 : memref<104xi32, #tpu.memory_space<hbm>>) target(%dma_start3A_312 : memref<104xi32, #tpu.memory_space<vmem>>) target_semaphore(%arg8 : memref<!tpu.dma_semaphore, #tpu.memory_space<semaphore_mem>>)
    %add3A_314 = arith.constant 208 : i32
    %add3A_315 = arith.addi %multiple_of3A, %add3A_314 : i32
    %multiple_of3A_316 = tpu.assume_multiple %add3A_315, 8 : i32
    %dma_start3A_317 = arith.constant 2 : i32
    %dma_start3A_318 = arith.constant 0 : i32
    %dma_start3A_319 = tpu.memref_slice %arg4[%dma_start3A_317, %dma_start3A_318] : memref<8x104xi32, #tpu.memory_space<vmem>> -> memref<1x104xi32, #tpu.memory_space<vmem>>
    %dma_start3A_320 = tpu.memref_squeeze %dma_start3A_319 : memref<1x104xi32, #tpu.memory_space<vmem>> -> memref<104xi32, #tpu.memory_space<vmem>>
    %dma_start3A_321 = tpu.memref_slice %arg2[%multiple_of3A_316] : memref<320000xi32, #tpu.memory_space<hbm>> -> memref<104xi32, #tpu.memory_space<hbm>>
    %dma_start3A_322 = arith.constant 0 : i32
    %dma_start3A_323 = tpu.memref_slice %arg4[%dma_start3A_317, %dma_start3A_322] : memref<8x104xi32, #tpu.memory_space<vmem>> -> memref<1x104xi32, #tpu.memory_space<vmem>>
    %dma_start3A_324 = tpu.memref_squeeze %dma_start3A_323 : memref<1x104xi32, #tpu.memory_space<vmem>> -> memref<104xi32, #tpu.memory_space<vmem>>
    %dma_start3A_325 = tpu.memref_slice %arg2[%multiple_of3A_316] : memref<320000xi32, #tpu.memory_space<hbm>> -> memref<104xi32, #tpu.memory_space<hbm>>
    tpu.enqueue_dma source(%dma_start3A_325 : memref<104xi32, #tpu.memory_space<hbm>>) target(%dma_start3A_324 : memref<104xi32, #tpu.memory_space<vmem>>) target_semaphore(%arg8 : memref<!tpu.dma_semaphore, #tpu.memory_space<semaphore_mem>>)
    %barrier3A = arith.constant 0 : index
    tpu.barrier barrier_id(%barrier3A)
    %scan3A = arith.constant 0 : i32
    %scan3A_326 = arith.constant 0 : i32
    %scan3A_327 = arith.constant 96 : i32
    %scan3A_328 = arith.addi %scan3A_326, %scan3A_327 : i32
    %scan3A_329 = arith.constant 1 : i32
    scf.for %scan3A_359 = %scan3A_326 to %scan3A_328 step %scan3A_329  : i32 {
      %add3A_360 = arith.constant 3 : i32
      %add3A_361 = arith.addi %scan3A_359, %add3A_360 : i32
      %lt3A = arith.constant 96 : i32
      %lt3A_362 = arith.cmpi slt, %add3A_361, %lt3A : i32
      %convert_element_type3A = arith.extui %lt3A_362 : i1 to i32
      %cond3A = arith.constant 0 : i32
      %cond3A_363 = arith.cmpi ne, %convert_element_type3A, %cond3A : i32
      scf.if %cond3A_363 {
        %add3A_389 = arith.constant 3 : i32
        %add3A_390 = arith.addi %scan3A_359, %add3A_389 : i32
        %add3A_391 = arith.constant 3 : i32
        %add3A_392 = arith.addi %scan3A_359, %add3A_391 : i32
        %rem3A_393 = arith.constant 8 : i32
        %rem3A_394 = arith.remsi %add3A_392, %rem3A_393 : i32
        %mul3A_395 = arith.constant 104 : i32
        %mul3A_396 = arith.muli %add3A_390, %mul3A_395 : i32
        %add3A_397 = arith.addi %multiple_of3A, %mul3A_396 : i32
        %multiple_of3A_398 = tpu.assume_multiple %add3A_397, 8 : i32
        %dma_start3A_399 = arith.constant 0 : i32
        %dma_start3A_400 = tpu.memref_slice %arg4[%rem3A_394, %dma_start3A_399] : memref<8x104xi32, #tpu.memory_space<vmem>> -> memref<1x104xi32, #tpu.memory_space<vmem>>
        %dma_start3A_401 = tpu.memref_squeeze %dma_start3A_400 : memref<1x104xi32, #tpu.memory_space<vmem>> -> memref<104xi32, #tpu.memory_space<vmem>>
        %dma_start3A_402 = tpu.memref_slice %arg2[%multiple_of3A_398] : memref<320000xi32, #tpu.memory_space<hbm>> -> memref<104xi32, #tpu.memory_space<hbm>>
        %dma_start3A_403 = arith.constant 0 : i32
        %dma_start3A_404 = tpu.memref_slice %arg4[%rem3A_394, %dma_start3A_403] : memref<8x104xi32, #tpu.memory_space<vmem>> -> memref<1x104xi32, #tpu.memory_space<vmem>>
        %dma_start3A_405 = tpu.memref_squeeze %dma_start3A_404 : memref<1x104xi32, #tpu.memory_space<vmem>> -> memref<104xi32, #tpu.memory_space<vmem>>
        %dma_start3A_406 = tpu.memref_slice %arg2[%multiple_of3A_398] : memref<320000xi32, #tpu.memory_space<hbm>> -> memref<104xi32, #tpu.memory_space<hbm>>
        tpu.enqueue_dma source(%dma_start3A_406 : memref<104xi32, #tpu.memory_space<hbm>>) target(%dma_start3A_405 : memref<104xi32, #tpu.memory_space<vmem>>) target_semaphore(%arg8 : memref<!tpu.dma_semaphore, #tpu.memory_space<semaphore_mem>>)
      } else {
      }
      %rem3A_364 = arith.constant 8 : i32
      %rem3A_365 = arith.remsi %scan3A_359, %rem3A_364 : i32
      %mul3A_366 = arith.constant 104 : i32
      %mul3A_367 = arith.muli %scan3A_359, %mul3A_366 : i32
      %add3A_368 = arith.addi %multiple_of3A, %mul3A_367 : i32
      %multiple_of3A_369 = tpu.assume_multiple %add3A_368, 8 : i32
      %dma_wait3A_370 = arith.constant 0 : i32
      %dma_wait3A_371 = tpu.memref_slice %arg4[%rem3A_365, %dma_wait3A_370] : memref<8x104xi32, #tpu.memory_space<vmem>> -> memref<1x104xi32, #tpu.memory_space<vmem>>
      %dma_wait3A_372 = tpu.memref_squeeze %dma_wait3A_371 : memref<1x104xi32, #tpu.memory_space<vmem>> -> memref<104xi32, #tpu.memory_space<vmem>>
      %dma_wait3A_373 = tpu.memref_slice %arg2[%multiple_of3A_369] : memref<320000xi32, #tpu.memory_space<hbm>> -> memref<104xi32, #tpu.memory_space<hbm>>
      %dma_wait3A_374 = arith.constant 0 : i32
      %dma_wait3A_375 = tpu.memref_slice %arg4[%rem3A_365, %dma_wait3A_374] : memref<8x104xi32, #tpu.memory_space<vmem>> -> memref<1x104xi32, #tpu.memory_space<vmem>>
      %dma_wait3A_376 = tpu.memref_squeeze %dma_wait3A_375 : memref<1x104xi32, #tpu.memory_space<vmem>> -> memref<104xi32, #tpu.memory_space<vmem>>
      %dma_wait3A_377 = tpu.memref_slice %arg2[%multiple_of3A_369] : memref<320000xi32, #tpu.memory_space<hbm>> -> memref<104xi32, #tpu.memory_space<hbm>>
      tpu.wait_dma2 semaphore(%arg8 : memref<!tpu.dma_semaphore, #tpu.memory_space<semaphore_mem>>) src(%dma_wait3A_377 : memref<104xi32, #tpu.memory_space<hbm>>) dst(%dma_wait3A_376 : memref<104xi32, #tpu.memory_space<vmem>>)
      %dma_start3A_378 = arith.constant 0 : i32
      %dma_start3A_379 = tpu.memref_slice %arg6[%dma_start3A_378] : memref<128xf32, #tpu.memory_space<vmem>> -> memref<104xf32, #tpu.memory_space<vmem>>
      %dma_start3A_380 = arith.constant 0 : i32
      %dma_start3A_381 = tpu.memref_slice %arg4[%rem3A_365, %dma_start3A_380] : memref<8x104xi32, #tpu.memory_space<vmem>> -> memref<1x104xi32, #tpu.memory_space<vmem>>
      %dma_start3A_382 = tpu.memref_squeeze %dma_start3A_381 : memref<1x104xi32, #tpu.memory_space<vmem>> -> memref<104xi32, #tpu.memory_space<vmem>>
      %dma_start3A_383 = arith.constant 0 : i32
      %dma_start3A_384 = tpu.memref_slice %arg10[%dma_start3A_383] : memref<10240xf32, #tpu.memory_space<vmem_shared>> -> memref<10240xf32, #tpu.memory_space<vmem_shared>>
      tpu.enqueue_indirect_dma source(%dma_start3A_379 : memref<104xf32, #tpu.memory_space<vmem>>) target(%dma_start3A_384 : memref<10240xf32, #tpu.memory_space<vmem_shared>>) offsets(%dma_start3A_382 : memref<104xi32, #tpu.memory_space<vmem>>) semaphore(%arg9 : memref<!tpu.dma_semaphore, #tpu.memory_space<semaphore_mem>>) {add = true}
      %ge3A = arith.constant 2 : i32
      %ge3A_385 = arith.cmpi sge, %scan3A_359, %ge3A : i32
      %convert_element_type3A_386 = arith.extui %ge3A_385 : i1 to i32
      %cond3A_387 = arith.constant 0 : i32
      %cond3A_388 = arith.cmpi ne, %convert_element_type3A_386, %cond3A_387 : i32
      scf.if %cond3A_388 {
        %sub3A = arith.constant 2 : i32
        %sub3A_389 = arith.subi %scan3A_359, %sub3A : i32
        %rem3A_390 = arith.constant 8 : i32
        %rem3A_391 = arith.remsi %sub3A_389, %rem3A_390 : i32
        %dma_wait3A_392 = arith.constant 0 : i32
        %dma_wait3A_393 = tpu.memref_slice %arg6[%dma_wait3A_392] : memref<128xf32, #tpu.memory_space<vmem>> -> memref<104xf32, #tpu.memory_space<vmem>>
        %dma_wait3A_394 = arith.constant 0 : i32
        %dma_wait3A_395 = tpu.memref_slice %arg4[%rem3A_391, %dma_wait3A_394] : memref<8x104xi32, #tpu.memory_space<vmem>> -> memref<1x104xi32, #tpu.memory_space<vmem>>
        %dma_wait3A_396 = tpu.memref_squeeze %dma_wait3A_395 : memref<1x104xi32, #tpu.memory_space<vmem>> -> memref<104xi32, #tpu.memory_space<vmem>>
        %dma_wait3A_397 = arith.constant 0 : i32
        %dma_wait3A_398 = tpu.memref_slice %arg10[%dma_wait3A_397] : memref<10240xf32, #tpu.memory_space<vmem_shared>> -> memref<10240xf32, #tpu.memory_space<vmem_shared>>
        tpu.wait_indirect_dma semaphore(%arg9 : memref<!tpu.dma_semaphore, #tpu.memory_space<semaphore_mem>>) src(%dma_wait3A_393 : memref<104xf32, #tpu.memory_space<vmem>>) dst(%dma_wait3A_398 : memref<10240xf32, #tpu.memory_space<vmem_shared>>)
      } else {
      }
    }
    %scan3A_330 = arith.constant 96 : i32
    %rem3A = arith.constant 94 : i32
    %rem3A_331 = arith.constant 8 : i32
    %rem3A_332 = arith.remsi %rem3A, %rem3A_331 : i32
    %dma_wait3A = arith.constant 0 : i32
    %dma_wait3A_333 = tpu.memref_slice %arg6[%dma_wait3A] : memref<128xf32, #tpu.memory_space<vmem>> -> memref<104xf32, #tpu.memory_space<vmem>>
    %dma_wait3A_334 = arith.constant 0 : i32
    %dma_wait3A_335 = tpu.memref_slice %arg4[%rem3A_332, %dma_wait3A_334] : memref<8x104xi32, #tpu.memory_space<vmem>> -> memref<1x104xi32, #tpu.memory_space<vmem>>
    %dma_wait3A_336 = tpu.memref_squeeze %dma_wait3A_335 : memref<1x104xi32, #tpu.memory_space<vmem>> -> memref<104xi32, #tpu.memory_space<vmem>>
    %dma_wait3A_337 = arith.constant 0 : i32
    %dma_wait3A_338 = tpu.memref_slice %arg10[%dma_wait3A_337] : memref<10240xf32, #tpu.memory_space<vmem_shared>> -> memref<10240xf32, #tpu.memory_space<vmem_shared>>
    tpu.wait_indirect_dma semaphore(%arg9 : memref<!tpu.dma_semaphore, #tpu.memory_space<semaphore_mem>>) src(%dma_wait3A_333 : memref<104xf32, #tpu.memory_space<vmem>>) dst(%dma_wait3A_338 : memref<10240xf32, #tpu.memory_space<vmem_shared>>)
    %rem3A_339 = arith.constant 95 : i32
    %rem3A_340 = arith.constant 8 : i32
    %rem3A_341 = arith.remsi %rem3A_339, %rem3A_340 : i32
    %dma_wait3A_342 = arith.constant 0 : i32
    %dma_wait3A_343 = tpu.memref_slice %arg6[%dma_wait3A_342] : memref<128xf32, #tpu.memory_space<vmem>> -> memref<104xf32, #tpu.memory_space<vmem>>
    %dma_wait3A_344 = arith.constant 0 : i32
    %dma_wait3A_345 = tpu.memref_slice %arg4[%rem3A_341, %dma_wait3A_344] : memref<8x104xi32, #tpu.memory_space<vmem>> -> memref<1x104xi32, #tpu.memory_space<vmem>>
    %dma_wait3A_346 = tpu.memref_squeeze %dma_wait3A_345 : memref<1x104xi32, #tpu.memory_space<vmem>> -> memref<104xi32, #tpu.memory_space<vmem>>
    %dma_wait3A_347 = arith.constant 0 : i32
    %dma_wait3A_348 = tpu.memref_slice %arg10[%dma_wait3A_347] : memref<10240xf32, #tpu.memory_space<vmem_shared>> -> memref<10240xf32, #tpu.memory_space<vmem_shared>>
    tpu.wait_indirect_dma semaphore(%arg9 : memref<!tpu.dma_semaphore, #tpu.memory_space<semaphore_mem>>) src(%dma_wait3A_343 : memref<104xf32, #tpu.memory_space<vmem>>) dst(%dma_wait3A_348 : memref<10240xf32, #tpu.memory_space<vmem_shared>>)
    %add3A_349 = arith.constant 9984 : i32
    %add3A_350 = arith.addi %multiple_of3A, %add3A_349 : i32
    "tpu.region"() ({
      %run_scoped3A = tpu.sem_alloc : memref<!tpu.dma_semaphore, #tpu.memory_space<semaphore_mem>>
      %dma_start3A_359 = tpu.memref_slice %arg2[%add3A_350] : memref<320000xi32, #tpu.memory_space<hbm>> -> memref<16xi32, #tpu.memory_space<hbm>>
      %dma_start3A_360 = tpu.memref_slice %arg2[%add3A_350] : memref<320000xi32, #tpu.memory_space<hbm>> -> memref<16xi32, #tpu.memory_space<hbm>>
      tpu.enqueue_dma source(%dma_start3A_360 : memref<16xi32, #tpu.memory_space<hbm>>) target(%arg5 : memref<16xi32, #tpu.memory_space<vmem>>) target_semaphore(%run_scoped3A : memref<!tpu.dma_semaphore, #tpu.memory_space<semaphore_mem>>)
      %dma_wait3A_361 = tpu.memref_slice %arg2[%add3A_350] : memref<320000xi32, #tpu.memory_space<hbm>> -> memref<16xi32, #tpu.memory_space<hbm>>
      %dma_wait3A_362 = tpu.memref_slice %arg2[%add3A_350] : memref<320000xi32, #tpu.memory_space<hbm>> -> memref<16xi32, #tpu.memory_space<hbm>>
      tpu.wait_dma2 semaphore(%run_scoped3A : memref<!tpu.dma_semaphore, #tpu.memory_space<semaphore_mem>>) src(%dma_wait3A_362 : memref<16xi32, #tpu.memory_space<hbm>>) dst(%arg5 : memref<16xi32, #tpu.memory_space<vmem>>)
      tpu.yield
    }) : () -> ()
    "tpu.region"() ({
      %run_scoped3A = tpu.sem_alloc : memref<!tpu.dma_semaphore, #tpu.memory_space<semaphore_mem>>
      %dma_start3A_359 = arith.constant 0 : i32
      %dma_start3A_360 = tpu.memref_slice %arg6[%dma_start3A_359] : memref<128xf32, #tpu.memory_space<vmem>> -> memref<16xf32, #tpu.memory_space<vmem>>
      %dma_start3A_361 = arith.constant 0 : i32
      %dma_start3A_362 = tpu.memref_slice %arg10[%dma_start3A_361] : memref<10240xf32, #tpu.memory_space<vmem_shared>> -> memref<10240xf32, #tpu.memory_space<vmem_shared>>
      tpu.enqueue_indirect_dma source(%dma_start3A_360 : memref<16xf32, #tpu.memory_space<vmem>>) target(%dma_start3A_362 : memref<10240xf32, #tpu.memory_space<vmem_shared>>) offsets(%arg5 : memref<16xi32, #tpu.memory_space<vmem>>) semaphore(%run_scoped3A : memref<!tpu.dma_semaphore, #tpu.memory_space<semaphore_mem>>) {add = true}
      %dma_wait3A_363 = arith.constant 0 : i32
      %dma_wait3A_364 = tpu.memref_slice %arg6[%dma_wait3A_363] : memref<128xf32, #tpu.memory_space<vmem>> -> memref<16xf32, #tpu.memory_space<vmem>>
      %dma_wait3A_365 = arith.constant 0 : i32
      %dma_wait3A_366 = tpu.memref_slice %arg10[%dma_wait3A_365] : memref<10240xf32, #tpu.memory_space<vmem_shared>> -> memref<10240xf32, #tpu.memory_space<vmem_shared>>
      tpu.wait_indirect_dma semaphore(%run_scoped3A : memref<!tpu.dma_semaphore, #tpu.memory_space<semaphore_mem>>) src(%dma_wait3A_364 : memref<16xf32, #tpu.memory_space<vmem>>) dst(%dma_wait3A_366 : memref<10240xf32, #tpu.memory_space<vmem_shared>>)
      tpu.yield
    }) : () -> ()
    %barrier3A_351 = arith.constant 0 : index
    tpu.barrier barrier_id(%barrier3A_351)
    %mul3A_352 = arith.constant 640 : i32
    %mul3A_353 = arith.muli %arg1, %mul3A_352 : i32
    %mul3A_354 = arith.constant 10240 : i32
    %mul3A_355 = arith.muli %arg0, %mul3A_354 : i32
    %mul3A_356 = arith.constant 640 : i32
    %mul3A_357 = arith.muli %arg1, %mul3A_356 : i32
    %add3A_358 = arith.addi %mul3A_355, %mul3A_357 : i32
    "tpu.region"() ({
      %run_scoped3A = tpu.sem_alloc : memref<!tpu.dma_semaphore, #tpu.memory_space<semaphore_mem>>
      %dma_start3A_359 = tpu.memref_slice %arg3[%add3A_358] : memref<20480xf32, #tpu.memory_space<hbm>> -> memref<640xf32, #tpu.memory_space<hbm>>
      %dma_start3A_360 = tpu.memref_slice %arg10[%mul3A_353] : memref<10240xf32, #tpu.memory_space<vmem_shared>> -> memref<640xf32, #tpu.memory_space<vmem_shared>>
      tpu.enqueue_dma source(%dma_start3A_360 : memref<640xf32, #tpu.memory_space<vmem_shared>>) target(%dma_start3A_359 : memref<640xf32, #tpu.memory_space<hbm>>) target_semaphore(%run_scoped3A : memref<!tpu.dma_semaphore, #tpu.memory_space<semaphore_mem>>)
      %dma_wait3A_361 = tpu.memref_slice %arg3[%add3A_358] : memref<20480xf32, #tpu.memory_space<hbm>> -> memref<640xf32, #tpu.memory_space<hbm>>
      %dma_wait3A_362 = tpu.memref_slice %arg10[%mul3A_353] : memref<10240xf32, #tpu.memory_space<vmem_shared>> -> memref<640xf32, #tpu.memory_space<vmem_shared>>
      tpu.wait_dma2 semaphore(%run_scoped3A : memref<!tpu.dma_semaphore, #tpu.memory_space<semaphore_mem>>) src(%dma_wait3A_362 : memref<640xf32, #tpu.memory_space<vmem_shared>>) dst(%dma_wait3A_361 : memref<640xf32, #tpu.memory_space<hbm>>)
      tpu.yield
    }) : () -> ()
    return
  }
}

#map = affine_map<(d0, d1) -> (0)>
#map1 = affine_map<(d0, d1) -> (0, 0)>
#map2 = affine_map<(d0, d1) -> (0, 0, 0)>
module attributes {stable_mosaic.version = 14 : i64} {
  func.func @_mp_body(%arg0: i32, %arg1: i32, %arg2: memref<320000xi32, #tpu.memory_space<hbm>>, %arg3: memref<320000xi32, #tpu.memory_space<hbm>>, %arg4: memref<10240x128xf32, #tpu.memory_space<hbm>>, %arg5: memref<2x10240x128xf32, #tpu.memory_space<hbm>>, %arg6: memref<8x104xi32, #tpu.memory_space<vmem>>, %arg7: memref<8x104xi32, #tpu.memory_space<vmem>>, %arg8: memref<16xi32, #tpu.memory_space<vmem>>, %arg9: memref<16xi32, #tpu.memory_space<vmem>>, %arg10: memref<3x104x128xf32, #tpu.memory_space<vmem>>, %arg11: memref<!tpu.dma_semaphore, #tpu.memory_space<semaphore_mem>>, %arg12: memref<!tpu.dma_semaphore, #tpu.memory_space<semaphore_mem>>, %arg13: memref<!tpu.dma_semaphore, #tpu.memory_space<semaphore_mem>>, %arg14: memref<10240x128xf32, #tpu.memory_space<vmem_shared>>) attributes {dimension_semantics = [#tpu.dimension_semantics<core_parallel>, #tpu.dimension_semantics<subcore_parallel>], iteration_bounds = array<i64: 2, 16>, scalar_prefetch = 0 : i64, scratch_operands = 9 : i64, tpu.core_type = #tpu.core_type<sc_vector_subcore>, window_params = [{transform_indices = #map}, {transform_indices = #map}, {transform_indices = #map1}, {transform_indices = #map2}]} {
    %mul3A = arith.constant 16 : i32
    %mul3A_0 = arith.muli %arg0, %mul3A : i32
    %add3A = arith.addi %mul3A_0, %arg1 : i32
    %mul3A_1 = arith.constant 10000 : i32
    %mul3A_2 = arith.muli %add3A, %mul3A_1 : i32
    %multiple_of3A = tpu.assume_multiple %mul3A_2, 8 : i32
    %mul3A_3 = arith.constant 640 : i32
    %mul3A_4 = arith.muli %arg1, %mul3A_3 : i32
    %multiple_of3A_5 = tpu.assume_multiple %mul3A_4, 8 : i32
    "tpu.region"() ({
      %run_scoped3A_189 = tpu.sem_alloc : memref<!tpu.dma_semaphore, #tpu.memory_space<semaphore_mem>>
      %dma_start3A_190 = arith.constant 0 : i32
      %dma_start3A_191 = tpu.memref_slice %arg14[%multiple_of3A_5, %dma_start3A_190] : memref<10240x128xf32, #tpu.memory_space<vmem_shared>> -> memref<640x128xf32, #tpu.memory_space<vmem_shared>>
      %dma_start3A_192 = arith.constant 0 : i32
      %dma_start3A_193 = tpu.memref_slice %arg4[%multiple_of3A_5, %dma_start3A_192] : memref<10240x128xf32, #tpu.memory_space<hbm>> -> memref<640x128xf32, #tpu.memory_space<hbm>>
      tpu.enqueue_dma source(%dma_start3A_193 : memref<640x128xf32, #tpu.memory_space<hbm>>) target(%dma_start3A_191 : memref<640x128xf32, #tpu.memory_space<vmem_shared>>) target_semaphore(%run_scoped3A_189 : memref<!tpu.dma_semaphore, #tpu.memory_space<semaphore_mem>>)
      %dma_wait3A_194 = arith.constant 0 : i32
      %dma_wait3A_195 = tpu.memref_slice %arg14[%multiple_of3A_5, %dma_wait3A_194] : memref<10240x128xf32, #tpu.memory_space<vmem_shared>> -> memref<640x128xf32, #tpu.memory_space<vmem_shared>>
      %dma_wait3A_196 = arith.constant 0 : i32
      %dma_wait3A_197 = tpu.memref_slice %arg4[%multiple_of3A_5, %dma_wait3A_196] : memref<10240x128xf32, #tpu.memory_space<hbm>> -> memref<640x128xf32, #tpu.memory_space<hbm>>
      tpu.wait_dma2 semaphore(%run_scoped3A_189 : memref<!tpu.dma_semaphore, #tpu.memory_space<semaphore_mem>>) src(%dma_wait3A_197 : memref<640x128xf32, #tpu.memory_space<hbm>>) dst(%dma_wait3A_195 : memref<640x128xf32, #tpu.memory_space<vmem_shared>>)
      tpu.yield
    }) : () -> ()
    %add3A_6 = arith.constant 0 : i32
    %add3A_7 = arith.addi %multiple_of3A, %add3A_6 : i32
    %multiple_of3A_8 = tpu.assume_multiple %add3A_7, 8 : i32
    %dma_start3A = arith.constant 0 : i32
    %dma_start3A_9 = arith.constant 0 : i32
    %dma_start3A_10 = tpu.memref_slice %arg6[%dma_start3A, %dma_start3A_9] : memref<8x104xi32, #tpu.memory_space<vmem>> -> memref<1x104xi32, #tpu.memory_space<vmem>>
    %dma_start3A_11 = tpu.memref_squeeze %dma_start3A_10 : memref<1x104xi32, #tpu.memory_space<vmem>> -> memref<104xi32, #tpu.memory_space<vmem>>
    %dma_start3A_12 = tpu.memref_slice %arg2[%multiple_of3A_8] : memref<320000xi32, #tpu.memory_space<hbm>> -> memref<104xi32, #tpu.memory_space<hbm>>
    %dma_start3A_13 = arith.constant 0 : i32
    %dma_start3A_14 = tpu.memref_slice %arg6[%dma_start3A, %dma_start3A_13] : memref<8x104xi32, #tpu.memory_space<vmem>> -> memref<1x104xi32, #tpu.memory_space<vmem>>
    %dma_start3A_15 = tpu.memref_squeeze %dma_start3A_14 : memref<1x104xi32, #tpu.memory_space<vmem>> -> memref<104xi32, #tpu.memory_space<vmem>>
    %dma_start3A_16 = tpu.memref_slice %arg2[%multiple_of3A_8] : memref<320000xi32, #tpu.memory_space<hbm>> -> memref<104xi32, #tpu.memory_space<hbm>>
    tpu.enqueue_dma source(%dma_start3A_16 : memref<104xi32, #tpu.memory_space<hbm>>) target(%dma_start3A_15 : memref<104xi32, #tpu.memory_space<vmem>>) target_semaphore(%arg11 : memref<!tpu.dma_semaphore, #tpu.memory_space<semaphore_mem>>)
    %add3A_17 = arith.constant 0 : i32
    %add3A_18 = arith.addi %multiple_of3A, %add3A_17 : i32
    %multiple_of3A_19 = tpu.assume_multiple %add3A_18, 8 : i32
    %dma_start3A_20 = arith.constant 0 : i32
    %dma_start3A_21 = arith.constant 0 : i32
    %dma_start3A_22 = tpu.memref_slice %arg7[%dma_start3A_20, %dma_start3A_21] : memref<8x104xi32, #tpu.memory_space<vmem>> -> memref<1x104xi32, #tpu.memory_space<vmem>>
    %dma_start3A_23 = tpu.memref_squeeze %dma_start3A_22 : memref<1x104xi32, #tpu.memory_space<vmem>> -> memref<104xi32, #tpu.memory_space<vmem>>
    %dma_start3A_24 = tpu.memref_slice %arg3[%multiple_of3A_19] : memref<320000xi32, #tpu.memory_space<hbm>> -> memref<104xi32, #tpu.memory_space<hbm>>
    %dma_start3A_25 = arith.constant 0 : i32
    %dma_start3A_26 = tpu.memref_slice %arg7[%dma_start3A_20, %dma_start3A_25] : memref<8x104xi32, #tpu.memory_space<vmem>> -> memref<1x104xi32, #tpu.memory_space<vmem>>
    %dma_start3A_27 = tpu.memref_squeeze %dma_start3A_26 : memref<1x104xi32, #tpu.memory_space<vmem>> -> memref<104xi32, #tpu.memory_space<vmem>>
    %dma_start3A_28 = tpu.memref_slice %arg3[%multiple_of3A_19] : memref<320000xi32, #tpu.memory_space<hbm>> -> memref<104xi32, #tpu.memory_space<hbm>>
    tpu.enqueue_dma source(%dma_start3A_28 : memref<104xi32, #tpu.memory_space<hbm>>) target(%dma_start3A_27 : memref<104xi32, #tpu.memory_space<vmem>>) target_semaphore(%arg11 : memref<!tpu.dma_semaphore, #tpu.memory_space<semaphore_mem>>)
    %add3A_29 = arith.constant 104 : i32
    %add3A_30 = arith.addi %multiple_of3A, %add3A_29 : i32
    %multiple_of3A_31 = tpu.assume_multiple %add3A_30, 8 : i32
    %dma_start3A_32 = arith.constant 1 : i32
    %dma_start3A_33 = arith.constant 0 : i32
    %dma_start3A_34 = tpu.memref_slice %arg6[%dma_start3A_32, %dma_start3A_33] : memref<8x104xi32, #tpu.memory_space<vmem>> -> memref<1x104xi32, #tpu.memory_space<vmem>>
    %dma_start3A_35 = tpu.memref_squeeze %dma_start3A_34 : memref<1x104xi32, #tpu.memory_space<vmem>> -> memref<104xi32, #tpu.memory_space<vmem>>
    %dma_start3A_36 = tpu.memref_slice %arg2[%multiple_of3A_31] : memref<320000xi32, #tpu.memory_space<hbm>> -> memref<104xi32, #tpu.memory_space<hbm>>
    %dma_start3A_37 = arith.constant 0 : i32
    %dma_start3A_38 = tpu.memref_slice %arg6[%dma_start3A_32, %dma_start3A_37] : memref<8x104xi32, #tpu.memory_space<vmem>> -> memref<1x104xi32, #tpu.memory_space<vmem>>
    %dma_start3A_39 = tpu.memref_squeeze %dma_start3A_38 : memref<1x104xi32, #tpu.memory_space<vmem>> -> memref<104xi32, #tpu.memory_space<vmem>>
    %dma_start3A_40 = tpu.memref_slice %arg2[%multiple_of3A_31] : memref<320000xi32, #tpu.memory_space<hbm>> -> memref<104xi32, #tpu.memory_space<hbm>>
    tpu.enqueue_dma source(%dma_start3A_40 : memref<104xi32, #tpu.memory_space<hbm>>) target(%dma_start3A_39 : memref<104xi32, #tpu.memory_space<vmem>>) target_semaphore(%arg11 : memref<!tpu.dma_semaphore, #tpu.memory_space<semaphore_mem>>)
    %add3A_41 = arith.constant 104 : i32
    %add3A_42 = arith.addi %multiple_of3A, %add3A_41 : i32
    %multiple_of3A_43 = tpu.assume_multiple %add3A_42, 8 : i32
    %dma_start3A_44 = arith.constant 1 : i32
    %dma_start3A_45 = arith.constant 0 : i32
    %dma_start3A_46 = tpu.memref_slice %arg7[%dma_start3A_44, %dma_start3A_45] : memref<8x104xi32, #tpu.memory_space<vmem>> -> memref<1x104xi32, #tpu.memory_space<vmem>>
    %dma_start3A_47 = tpu.memref_squeeze %dma_start3A_46 : memref<1x104xi32, #tpu.memory_space<vmem>> -> memref<104xi32, #tpu.memory_space<vmem>>
    %dma_start3A_48 = tpu.memref_slice %arg3[%multiple_of3A_43] : memref<320000xi32, #tpu.memory_space<hbm>> -> memref<104xi32, #tpu.memory_space<hbm>>
    %dma_start3A_49 = arith.constant 0 : i32
    %dma_start3A_50 = tpu.memref_slice %arg7[%dma_start3A_44, %dma_start3A_49] : memref<8x104xi32, #tpu.memory_space<vmem>> -> memref<1x104xi32, #tpu.memory_space<vmem>>
    %dma_start3A_51 = tpu.memref_squeeze %dma_start3A_50 : memref<1x104xi32, #tpu.memory_space<vmem>> -> memref<104xi32, #tpu.memory_space<vmem>>
    %dma_start3A_52 = tpu.memref_slice %arg3[%multiple_of3A_43] : memref<320000xi32, #tpu.memory_space<hbm>> -> memref<104xi32, #tpu.memory_space<hbm>>
    tpu.enqueue_dma source(%dma_start3A_52 : memref<104xi32, #tpu.memory_space<hbm>>) target(%dma_start3A_51 : memref<104xi32, #tpu.memory_space<vmem>>) target_semaphore(%arg11 : memref<!tpu.dma_semaphore, #tpu.memory_space<semaphore_mem>>)
    %add3A_53 = arith.constant 208 : i32
    %add3A_54 = arith.addi %multiple_of3A, %add3A_53 : i32
    %multiple_of3A_55 = tpu.assume_multiple %add3A_54, 8 : i32
    %dma_start3A_56 = arith.constant 2 : i32
    %dma_start3A_57 = arith.constant 0 : i32
    %dma_start3A_58 = tpu.memref_slice %arg6[%dma_start3A_56, %dma_start3A_57] : memref<8x104xi32, #tpu.memory_space<vmem>> -> memref<1x104xi32, #tpu.memory_space<vmem>>
    %dma_start3A_59 = tpu.memref_squeeze %dma_start3A_58 : memref<1x104xi32, #tpu.memory_space<vmem>> -> memref<104xi32, #tpu.memory_space<vmem>>
    %dma_start3A_60 = tpu.memref_slice %arg2[%multiple_of3A_55] : memref<320000xi32, #tpu.memory_space<hbm>> -> memref<104xi32, #tpu.memory_space<hbm>>
    %dma_start3A_61 = arith.constant 0 : i32
    %dma_start3A_62 = tpu.memref_slice %arg6[%dma_start3A_56, %dma_start3A_61] : memref<8x104xi32, #tpu.memory_space<vmem>> -> memref<1x104xi32, #tpu.memory_space<vmem>>
    %dma_start3A_63 = tpu.memref_squeeze %dma_start3A_62 : memref<1x104xi32, #tpu.memory_space<vmem>> -> memref<104xi32, #tpu.memory_space<vmem>>
    %dma_start3A_64 = tpu.memref_slice %arg2[%multiple_of3A_55] : memref<320000xi32, #tpu.memory_space<hbm>> -> memref<104xi32, #tpu.memory_space<hbm>>
    tpu.enqueue_dma source(%dma_start3A_64 : memref<104xi32, #tpu.memory_space<hbm>>) target(%dma_start3A_63 : memref<104xi32, #tpu.memory_space<vmem>>) target_semaphore(%arg11 : memref<!tpu.dma_semaphore, #tpu.memory_space<semaphore_mem>>)
    %add3A_65 = arith.constant 208 : i32
    %add3A_66 = arith.addi %multiple_of3A, %add3A_65 : i32
    %multiple_of3A_67 = tpu.assume_multiple %add3A_66, 8 : i32
    %dma_start3A_68 = arith.constant 2 : i32
    %dma_start3A_69 = arith.constant 0 : i32
    %dma_start3A_70 = tpu.memref_slice %arg7[%dma_start3A_68, %dma_start3A_69] : memref<8x104xi32, #tpu.memory_space<vmem>> -> memref<1x104xi32, #tpu.memory_space<vmem>>
    %dma_start3A_71 = tpu.memref_squeeze %dma_start3A_70 : memref<1x104xi32, #tpu.memory_space<vmem>> -> memref<104xi32, #tpu.memory_space<vmem>>
    %dma_start3A_72 = tpu.memref_slice %arg3[%multiple_of3A_67] : memref<320000xi32, #tpu.memory_space<hbm>> -> memref<104xi32, #tpu.memory_space<hbm>>
    %dma_start3A_73 = arith.constant 0 : i32
    %dma_start3A_74 = tpu.memref_slice %arg7[%dma_start3A_68, %dma_start3A_73] : memref<8x104xi32, #tpu.memory_space<vmem>> -> memref<1x104xi32, #tpu.memory_space<vmem>>
    %dma_start3A_75 = tpu.memref_squeeze %dma_start3A_74 : memref<1x104xi32, #tpu.memory_space<vmem>> -> memref<104xi32, #tpu.memory_space<vmem>>
    %dma_start3A_76 = tpu.memref_slice %arg3[%multiple_of3A_67] : memref<320000xi32, #tpu.memory_space<hbm>> -> memref<104xi32, #tpu.memory_space<hbm>>
    tpu.enqueue_dma source(%dma_start3A_76 : memref<104xi32, #tpu.memory_space<hbm>>) target(%dma_start3A_75 : memref<104xi32, #tpu.memory_space<vmem>>) target_semaphore(%arg11 : memref<!tpu.dma_semaphore, #tpu.memory_space<semaphore_mem>>)
    %barrier3A = arith.constant 0 : index
    tpu.barrier barrier_id(%barrier3A)
    %add3A_77 = arith.constant 0 : i32
    %add3A_78 = arith.addi %multiple_of3A, %add3A_77 : i32
    %multiple_of3A_79 = tpu.assume_multiple %add3A_78, 8 : i32
    %dma_wait3A = arith.constant 0 : i32
    %dma_wait3A_80 = arith.constant 0 : i32
    %dma_wait3A_81 = tpu.memref_slice %arg6[%dma_wait3A, %dma_wait3A_80] : memref<8x104xi32, #tpu.memory_space<vmem>> -> memref<1x104xi32, #tpu.memory_space<vmem>>
    %dma_wait3A_82 = tpu.memref_squeeze %dma_wait3A_81 : memref<1x104xi32, #tpu.memory_space<vmem>> -> memref<104xi32, #tpu.memory_space<vmem>>
    %dma_wait3A_83 = tpu.memref_slice %arg2[%multiple_of3A_79] : memref<320000xi32, #tpu.memory_space<hbm>> -> memref<104xi32, #tpu.memory_space<hbm>>
    %dma_wait3A_84 = arith.constant 0 : i32
    %dma_wait3A_85 = tpu.memref_slice %arg6[%dma_wait3A, %dma_wait3A_84] : memref<8x104xi32, #tpu.memory_space<vmem>> -> memref<1x104xi32, #tpu.memory_space<vmem>>
    %dma_wait3A_86 = tpu.memref_squeeze %dma_wait3A_85 : memref<1x104xi32, #tpu.memory_space<vmem>> -> memref<104xi32, #tpu.memory_space<vmem>>
    %dma_wait3A_87 = tpu.memref_slice %arg2[%multiple_of3A_79] : memref<320000xi32, #tpu.memory_space<hbm>> -> memref<104xi32, #tpu.memory_space<hbm>>
    tpu.wait_dma2 semaphore(%arg11 : memref<!tpu.dma_semaphore, #tpu.memory_space<semaphore_mem>>) src(%dma_wait3A_87 : memref<104xi32, #tpu.memory_space<hbm>>) dst(%dma_wait3A_86 : memref<104xi32, #tpu.memory_space<vmem>>)
    %add3A_88 = arith.constant 0 : i32
    %add3A_89 = arith.addi %multiple_of3A, %add3A_88 : i32
    %multiple_of3A_90 = tpu.assume_multiple %add3A_89, 8 : i32
    %dma_wait3A_91 = arith.constant 0 : i32
    %dma_wait3A_92 = arith.constant 0 : i32
    %dma_wait3A_93 = tpu.memref_slice %arg7[%dma_wait3A_91, %dma_wait3A_92] : memref<8x104xi32, #tpu.memory_space<vmem>> -> memref<1x104xi32, #tpu.memory_space<vmem>>
    %dma_wait3A_94 = tpu.memref_squeeze %dma_wait3A_93 : memref<1x104xi32, #tpu.memory_space<vmem>> -> memref<104xi32, #tpu.memory_space<vmem>>
    %dma_wait3A_95 = tpu.memref_slice %arg3[%multiple_of3A_90] : memref<320000xi32, #tpu.memory_space<hbm>> -> memref<104xi32, #tpu.memory_space<hbm>>
    %dma_wait3A_96 = arith.constant 0 : i32
    %dma_wait3A_97 = tpu.memref_slice %arg7[%dma_wait3A_91, %dma_wait3A_96] : memref<8x104xi32, #tpu.memory_space<vmem>> -> memref<1x104xi32, #tpu.memory_space<vmem>>
    %dma_wait3A_98 = tpu.memref_squeeze %dma_wait3A_97 : memref<1x104xi32, #tpu.memory_space<vmem>> -> memref<104xi32, #tpu.memory_space<vmem>>
    %dma_wait3A_99 = tpu.memref_slice %arg3[%multiple_of3A_90] : memref<320000xi32, #tpu.memory_space<hbm>> -> memref<104xi32, #tpu.memory_space<hbm>>
    tpu.wait_dma2 semaphore(%arg11 : memref<!tpu.dma_semaphore, #tpu.memory_space<semaphore_mem>>) src(%dma_wait3A_99 : memref<104xi32, #tpu.memory_space<hbm>>) dst(%dma_wait3A_98 : memref<104xi32, #tpu.memory_space<vmem>>)
    %dma_start3A_100 = arith.constant 0 : i32
    %dma_start3A_101 = arith.constant 0 : i32
    %dma_start3A_102 = arith.constant 0 : i32
    %dma_start3A_103 = arith.constant 0 : i32
    %dma_start3A_104 = tpu.memref_slice %arg10[%dma_start3A_101, %dma_start3A_102, %dma_start3A_103] : memref<3x104x128xf32, #tpu.memory_space<vmem>> -> memref<1x104x128xf32, #tpu.memory_space<vmem>>
    %dma_start3A_105 = tpu.memref_squeeze %dma_start3A_104 : memref<1x104x128xf32, #tpu.memory_space<vmem>> -> memref<104x128xf32, #tpu.memory_space<vmem>>
    %dma_start3A_106 = arith.constant 0 : i32
    %dma_start3A_107 = tpu.memref_slice %arg6[%dma_start3A_100, %dma_start3A_106] : memref<8x104xi32, #tpu.memory_space<vmem>> -> memref<1x104xi32, #tpu.memory_space<vmem>>
    %dma_start3A_108 = tpu.memref_squeeze %dma_start3A_107 : memref<1x104xi32, #tpu.memory_space<vmem>> -> memref<104xi32, #tpu.memory_space<vmem>>
    %dma_start3A_109 = arith.constant 0 : i32
    %dma_start3A_110 = arith.constant 0 : i32
    %dma_start3A_111 = tpu.memref_slice %arg4[%dma_start3A_109, %dma_start3A_110] : memref<10240x128xf32, #tpu.memory_space<hbm>> -> memref<10240x128xf32, #tpu.memory_space<hbm>>
    tpu.enqueue_indirect_dma source(%dma_start3A_111 : memref<10240x128xf32, #tpu.memory_space<hbm>>) target(%dma_start3A_105 : memref<104x128xf32, #tpu.memory_space<vmem>>) offsets(%dma_start3A_108 : memref<104xi32, #tpu.memory_space<vmem>>) semaphore(%arg12 : memref<!tpu.dma_semaphore, #tpu.memory_space<semaphore_mem>>)
    %add3A_112 = arith.constant 104 : i32
    %add3A_113 = arith.addi %multiple_of3A, %add3A_112 : i32
    %multiple_of3A_114 = tpu.assume_multiple %add3A_113, 8 : i32
    %dma_wait3A_115 = arith.constant 1 : i32
    %dma_wait3A_116 = arith.constant 0 : i32
    %dma_wait3A_117 = tpu.memref_slice %arg6[%dma_wait3A_115, %dma_wait3A_116] : memref<8x104xi32, #tpu.memory_space<vmem>> -> memref<1x104xi32, #tpu.memory_space<vmem>>
    %dma_wait3A_118 = tpu.memref_squeeze %dma_wait3A_117 : memref<1x104xi32, #tpu.memory_space<vmem>> -> memref<104xi32, #tpu.memory_space<vmem>>
    %dma_wait3A_119 = tpu.memref_slice %arg2[%multiple_of3A_114] : memref<320000xi32, #tpu.memory_space<hbm>> -> memref<104xi32, #tpu.memory_space<hbm>>
    %dma_wait3A_120 = arith.constant 0 : i32
    %dma_wait3A_121 = tpu.memref_slice %arg6[%dma_wait3A_115, %dma_wait3A_120] : memref<8x104xi32, #tpu.memory_space<vmem>> -> memref<1x104xi32, #tpu.memory_space<vmem>>
    %dma_wait3A_122 = tpu.memref_squeeze %dma_wait3A_121 : memref<1x104xi32, #tpu.memory_space<vmem>> -> memref<104xi32, #tpu.memory_space<vmem>>
    %dma_wait3A_123 = tpu.memref_slice %arg2[%multiple_of3A_114] : memref<320000xi32, #tpu.memory_space<hbm>> -> memref<104xi32, #tpu.memory_space<hbm>>
    tpu.wait_dma2 semaphore(%arg11 : memref<!tpu.dma_semaphore, #tpu.memory_space<semaphore_mem>>) src(%dma_wait3A_123 : memref<104xi32, #tpu.memory_space<hbm>>) dst(%dma_wait3A_122 : memref<104xi32, #tpu.memory_space<vmem>>)
    %add3A_124 = arith.constant 104 : i32
    %add3A_125 = arith.addi %multiple_of3A, %add3A_124 : i32
    %multiple_of3A_126 = tpu.assume_multiple %add3A_125, 8 : i32
    %dma_wait3A_127 = arith.constant 1 : i32
    %dma_wait3A_128 = arith.constant 0 : i32
    %dma_wait3A_129 = tpu.memref_slice %arg7[%dma_wait3A_127, %dma_wait3A_128] : memref<8x104xi32, #tpu.memory_space<vmem>> -> memref<1x104xi32, #tpu.memory_space<vmem>>
    %dma_wait3A_130 = tpu.memref_squeeze %dma_wait3A_129 : memref<1x104xi32, #tpu.memory_space<vmem>> -> memref<104xi32, #tpu.memory_space<vmem>>
    %dma_wait3A_131 = tpu.memref_slice %arg3[%multiple_of3A_126] : memref<320000xi32, #tpu.memory_space<hbm>> -> memref<104xi32, #tpu.memory_space<hbm>>
    %dma_wait3A_132 = arith.constant 0 : i32
    %dma_wait3A_133 = tpu.memref_slice %arg7[%dma_wait3A_127, %dma_wait3A_132] : memref<8x104xi32, #tpu.memory_space<vmem>> -> memref<1x104xi32, #tpu.memory_space<vmem>>
    %dma_wait3A_134 = tpu.memref_squeeze %dma_wait3A_133 : memref<1x104xi32, #tpu.memory_space<vmem>> -> memref<104xi32, #tpu.memory_space<vmem>>
    %dma_wait3A_135 = tpu.memref_slice %arg3[%multiple_of3A_126] : memref<320000xi32, #tpu.memory_space<hbm>> -> memref<104xi32, #tpu.memory_space<hbm>>
    tpu.wait_dma2 semaphore(%arg11 : memref<!tpu.dma_semaphore, #tpu.memory_space<semaphore_mem>>) src(%dma_wait3A_135 : memref<104xi32, #tpu.memory_space<hbm>>) dst(%dma_wait3A_134 : memref<104xi32, #tpu.memory_space<vmem>>)
    %dma_start3A_136 = arith.constant 1 : i32
    %dma_start3A_137 = arith.constant 1 : i32
    %dma_start3A_138 = arith.constant 0 : i32
    %dma_start3A_139 = arith.constant 0 : i32
    %dma_start3A_140 = tpu.memref_slice %arg10[%dma_start3A_137, %dma_start3A_138, %dma_start3A_139] : memref<3x104x128xf32, #tpu.memory_space<vmem>> -> memref<1x104x128xf32, #tpu.memory_space<vmem>>
    %dma_start3A_141 = tpu.memref_squeeze %dma_start3A_140 : memref<1x104x128xf32, #tpu.memory_space<vmem>> -> memref<104x128xf32, #tpu.memory_space<vmem>>
    %dma_start3A_142 = arith.constant 0 : i32
    %dma_start3A_143 = tpu.memref_slice %arg6[%dma_start3A_136, %dma_start3A_142] : memref<8x104xi32, #tpu.memory_space<vmem>> -> memref<1x104xi32, #tpu.memory_space<vmem>>
    %dma_start3A_144 = tpu.memref_squeeze %dma_start3A_143 : memref<1x104xi32, #tpu.memory_space<vmem>> -> memref<104xi32, #tpu.memory_space<vmem>>
    %dma_start3A_145 = arith.constant 0 : i32
    %dma_start3A_146 = arith.constant 0 : i32
    %dma_start3A_147 = tpu.memref_slice %arg4[%dma_start3A_145, %dma_start3A_146] : memref<10240x128xf32, #tpu.memory_space<hbm>> -> memref<10240x128xf32, #tpu.memory_space<hbm>>
    tpu.enqueue_indirect_dma source(%dma_start3A_147 : memref<10240x128xf32, #tpu.memory_space<hbm>>) target(%dma_start3A_141 : memref<104x128xf32, #tpu.memory_space<vmem>>) offsets(%dma_start3A_144 : memref<104xi32, #tpu.memory_space<vmem>>) semaphore(%arg12 : memref<!tpu.dma_semaphore, #tpu.memory_space<semaphore_mem>>)
    %scan3A = arith.constant 0 : i32
    %scan3A_148 = arith.constant 0 : i32
    %scan3A_149 = arith.constant 96 : i32
    %scan3A_150 = arith.addi %scan3A_148, %scan3A_149 : i32
    %scan3A_151 = arith.constant 1 : i32
    scf.for %scan3A_189 = %scan3A_148 to %scan3A_150 step %scan3A_151  : i32 {
      %add3A_190 = arith.constant 3 : i32
      %add3A_191 = arith.addi %scan3A_189, %add3A_190 : i32
      %lt3A = arith.constant 96 : i32
      %lt3A_192 = arith.cmpi slt, %add3A_191, %lt3A : i32
      %convert_element_type3A = arith.extui %lt3A_192 : i1 to i32
      %cond3A = arith.constant 0 : i32
      %cond3A_193 = arith.cmpi ne, %convert_element_type3A, %cond3A : i32
      scf.if %cond3A_193 {
        %add3A_229 = arith.constant 3 : i32
        %add3A_230 = arith.addi %scan3A_189, %add3A_229 : i32
        %rem3A_231 = arith.constant 8 : i32
        %rem3A_232 = arith.remsi %add3A_230, %rem3A_231 : i32
        %add3A_233 = arith.constant 3 : i32
        %add3A_234 = arith.addi %scan3A_189, %add3A_233 : i32
        %mul3A_235 = arith.constant 104 : i32
        %mul3A_236 = arith.muli %add3A_234, %mul3A_235 : i32
        %add3A_237 = arith.addi %multiple_of3A, %mul3A_236 : i32
        %multiple_of3A_238 = tpu.assume_multiple %add3A_237, 8 : i32
        %dma_start3A_239 = arith.constant 0 : i32
        %dma_start3A_240 = tpu.memref_slice %arg6[%rem3A_232, %dma_start3A_239] : memref<8x104xi32, #tpu.memory_space<vmem>> -> memref<1x104xi32, #tpu.memory_space<vmem>>
        %dma_start3A_241 = tpu.memref_squeeze %dma_start3A_240 : memref<1x104xi32, #tpu.memory_space<vmem>> -> memref<104xi32, #tpu.memory_space<vmem>>
        %dma_start3A_242 = tpu.memref_slice %arg2[%multiple_of3A_238] : memref<320000xi32, #tpu.memory_space<hbm>> -> memref<104xi32, #tpu.memory_space<hbm>>
        %dma_start3A_243 = arith.constant 0 : i32
        %dma_start3A_244 = tpu.memref_slice %arg6[%rem3A_232, %dma_start3A_243] : memref<8x104xi32, #tpu.memory_space<vmem>> -> memref<1x104xi32, #tpu.memory_space<vmem>>
        %dma_start3A_245 = tpu.memref_squeeze %dma_start3A_244 : memref<1x104xi32, #tpu.memory_space<vmem>> -> memref<104xi32, #tpu.memory_space<vmem>>
        %dma_start3A_246 = tpu.memref_slice %arg2[%multiple_of3A_238] : memref<320000xi32, #tpu.memory_space<hbm>> -> memref<104xi32, #tpu.memory_space<hbm>>
        tpu.enqueue_dma source(%dma_start3A_246 : memref<104xi32, #tpu.memory_space<hbm>>) target(%dma_start3A_245 : memref<104xi32, #tpu.memory_space<vmem>>) target_semaphore(%arg11 : memref<!tpu.dma_semaphore, #tpu.memory_space<semaphore_mem>>)
        %add3A_247 = arith.constant 3 : i32
        %add3A_248 = arith.addi %scan3A_189, %add3A_247 : i32
        %mul3A_249 = arith.constant 104 : i32
        %mul3A_250 = arith.muli %add3A_248, %mul3A_249 : i32
        %add3A_251 = arith.addi %multiple_of3A, %mul3A_250 : i32
        %multiple_of3A_252 = tpu.assume_multiple %add3A_251, 8 : i32
        %dma_start3A_253 = arith.constant 0 : i32
        %dma_start3A_254 = tpu.memref_slice %arg7[%rem3A_232, %dma_start3A_253] : memref<8x104xi32, #tpu.memory_space<vmem>> -> memref<1x104xi32, #tpu.memory_space<vmem>>
        %dma_start3A_255 = tpu.memref_squeeze %dma_start3A_254 : memref<1x104xi32, #tpu.memory_space<vmem>> -> memref<104xi32, #tpu.memory_space<vmem>>
        %dma_start3A_256 = tpu.memref_slice %arg3[%multiple_of3A_252] : memref<320000xi32, #tpu.memory_space<hbm>> -> memref<104xi32, #tpu.memory_space<hbm>>
        %dma_start3A_257 = arith.constant 0 : i32
        %dma_start3A_258 = tpu.memref_slice %arg7[%rem3A_232, %dma_start3A_257] : memref<8x104xi32, #tpu.memory_space<vmem>> -> memref<1x104xi32, #tpu.memory_space<vmem>>
        %dma_start3A_259 = tpu.memref_squeeze %dma_start3A_258 : memref<1x104xi32, #tpu.memory_space<vmem>> -> memref<104xi32, #tpu.memory_space<vmem>>
        %dma_start3A_260 = tpu.memref_slice %arg3[%multiple_of3A_252] : memref<320000xi32, #tpu.memory_space<hbm>> -> memref<104xi32, #tpu.memory_space<hbm>>
        tpu.enqueue_dma source(%dma_start3A_260 : memref<104xi32, #tpu.memory_space<hbm>>) target(%dma_start3A_259 : memref<104xi32, #tpu.memory_space<vmem>>) target_semaphore(%arg11 : memref<!tpu.dma_semaphore, #tpu.memory_space<semaphore_mem>>)
      } else {
      }
      %rem3A_194 = arith.constant 8 : i32
      %rem3A_195 = arith.remsi %scan3A_189, %rem3A_194 : i32
      %rem3A_196 = arith.constant 3 : i32
      %rem3A_197 = arith.remsi %scan3A_189, %rem3A_196 : i32
      %dma_wait3A_198 = arith.constant 0 : i32
      %dma_wait3A_199 = arith.constant 0 : i32
      %dma_wait3A_200 = tpu.memref_slice %arg10[%rem3A_197, %dma_wait3A_198, %dma_wait3A_199] : memref<3x104x128xf32, #tpu.memory_space<vmem>> -> memref<1x104x128xf32, #tpu.memory_space<vmem>>
      %dma_wait3A_201 = tpu.memref_squeeze %dma_wait3A_200 : memref<1x104x128xf32, #tpu.memory_space<vmem>> -> memref<104x128xf32, #tpu.memory_space<vmem>>
      %dma_wait3A_202 = arith.constant 0 : i32
      %dma_wait3A_203 = tpu.memref_slice %arg6[%rem3A_195, %dma_wait3A_202] : memref<8x104xi32, #tpu.memory_space<vmem>> -> memref<1x104xi32, #tpu.memory_space<vmem>>
      %dma_wait3A_204 = tpu.memref_squeeze %dma_wait3A_203 : memref<1x104xi32, #tpu.memory_space<vmem>> -> memref<104xi32, #tpu.memory_space<vmem>>
      %dma_wait3A_205 = arith.constant 0 : i32
      %dma_wait3A_206 = arith.constant 0 : i32
      %dma_wait3A_207 = tpu.memref_slice %arg4[%dma_wait3A_205, %dma_wait3A_206] : memref<10240x128xf32, #tpu.memory_space<hbm>> -> memref<10240x128xf32, #tpu.memory_space<hbm>>
      tpu.wait_indirect_dma semaphore(%arg12 : memref<!tpu.dma_semaphore, #tpu.memory_space<semaphore_mem>>) src(%dma_wait3A_207 : memref<10240x128xf32, #tpu.memory_space<hbm>>) dst(%dma_wait3A_201 : memref<104x128xf32, #tpu.memory_space<vmem>>)
      %dma_start3A_208 = arith.constant 0 : i32
      %dma_start3A_209 = arith.constant 0 : i32
      %dma_start3A_210 = tpu.memref_slice %arg10[%rem3A_197, %dma_start3A_208, %dma_start3A_209] : memref<3x104x128xf32, #tpu.memory_space<vmem>> -> memref<1x104x128xf32, #tpu.memory_space<vmem>>
      %dma_start3A_211 = tpu.memref_squeeze %dma_start3A_210 : memref<1x104x128xf32, #tpu.memory_space<vmem>> -> memref<104x128xf32, #tpu.memory_space<vmem>>
      %dma_start3A_212 = arith.constant 0 : i32
      %dma_start3A_213 = tpu.memref_slice %arg7[%rem3A_195, %dma_start3A_212] : memref<8x104xi32, #tpu.memory_space<vmem>> -> memref<1x104xi32, #tpu.memory_space<vmem>>
      %dma_start3A_214 = tpu.memref_squeeze %dma_start3A_213 : memref<1x104xi32, #tpu.memory_space<vmem>> -> memref<104xi32, #tpu.memory_space<vmem>>
      %dma_start3A_215 = arith.constant 0 : i32
      %dma_start3A_216 = arith.constant 0 : i32
      %dma_start3A_217 = tpu.memref_slice %arg14[%dma_start3A_215, %dma_start3A_216] : memref<10240x128xf32, #tpu.memory_space<vmem_shared>> -> memref<10240x128xf32, #tpu.memory_space<vmem_shared>>
      tpu.enqueue_indirect_dma source(%dma_start3A_211 : memref<104x128xf32, #tpu.memory_space<vmem>>) target(%dma_start3A_217 : memref<10240x128xf32, #tpu.memory_space<vmem_shared>>) offsets(%dma_start3A_214 : memref<104xi32, #tpu.memory_space<vmem>>) semaphore(%arg13 : memref<!tpu.dma_semaphore, #tpu.memory_space<semaphore_mem>>) {add = true}
      %ge3A = arith.constant 1 : i32
      %ge3A_218 = arith.cmpi sge, %scan3A_189, %ge3A : i32
      %convert_element_type3A_219 = arith.extui %ge3A_218 : i1 to i32
      %cond3A_220 = arith.constant 0 : i32
      %cond3A_221 = arith.cmpi ne, %convert_element_type3A_219, %cond3A_220 : i32
      scf.if %cond3A_221 {
        %sub3A = arith.constant 1 : i32
        %sub3A_229 = arith.subi %scan3A_189, %sub3A : i32
        %rem3A_230 = arith.constant 8 : i32
        %rem3A_231 = arith.remsi %sub3A_229, %rem3A_230 : i32
        %sub3A_232 = arith.constant 1 : i32
        %sub3A_233 = arith.subi %scan3A_189, %sub3A_232 : i32
        %rem3A_234 = arith.constant 3 : i32
        %rem3A_235 = arith.remsi %sub3A_233, %rem3A_234 : i32
        %dma_wait3A_236 = arith.constant 0 : i32
        %dma_wait3A_237 = arith.constant 0 : i32
        %dma_wait3A_238 = tpu.memref_slice %arg10[%rem3A_235, %dma_wait3A_236, %dma_wait3A_237] : memref<3x104x128xf32, #tpu.memory_space<vmem>> -> memref<1x104x128xf32, #tpu.memory_space<vmem>>
        %dma_wait3A_239 = tpu.memref_squeeze %dma_wait3A_238 : memref<1x104x128xf32, #tpu.memory_space<vmem>> -> memref<104x128xf32, #tpu.memory_space<vmem>>
        %dma_wait3A_240 = arith.constant 0 : i32
        %dma_wait3A_241 = tpu.memref_slice %arg7[%rem3A_231, %dma_wait3A_240] : memref<8x104xi32, #tpu.memory_space<vmem>> -> memref<1x104xi32, #tpu.memory_space<vmem>>
        %dma_wait3A_242 = tpu.memref_squeeze %dma_wait3A_241 : memref<1x104xi32, #tpu.memory_space<vmem>> -> memref<104xi32, #tpu.memory_space<vmem>>
        %dma_wait3A_243 = arith.constant 0 : i32
        %dma_wait3A_244 = arith.constant 0 : i32
        %dma_wait3A_245 = tpu.memref_slice %arg14[%dma_wait3A_243, %dma_wait3A_244] : memref<10240x128xf32, #tpu.memory_space<vmem_shared>> -> memref<10240x128xf32, #tpu.memory_space<vmem_shared>>
        tpu.wait_indirect_dma semaphore(%arg13 : memref<!tpu.dma_semaphore, #tpu.memory_space<semaphore_mem>>) src(%dma_wait3A_239 : memref<104x128xf32, #tpu.memory_space<vmem>>) dst(%dma_wait3A_245 : memref<10240x128xf32, #tpu.memory_space<vmem_shared>>)
      } else {
      }
      %add3A_222 = arith.constant 2 : i32
      %add3A_223 = arith.addi %scan3A_189, %add3A_222 : i32
      %lt3A_224 = arith.constant 96 : i32
      %lt3A_225 = arith.cmpi slt, %add3A_223, %lt3A_224 : i32
      %convert_element_type3A_226 = arith.extui %lt3A_225 : i1 to i32
      %cond3A_227 = arith.constant 0 : i32
      %cond3A_228 = arith.cmpi ne, %convert_element_type3A_226, %cond3A_227 : i32
      scf.if %cond3A_228 {
        %add3A_229 = arith.constant 2 : i32
        %add3A_230 = arith.addi %scan3A_189, %add3A_229 : i32
        %rem3A_231 = arith.constant 8 : i32
        %rem3A_232 = arith.remsi %add3A_230, %rem3A_231 : i32
        %add3A_233 = arith.constant 2 : i32
        %add3A_234 = arith.addi %scan3A_189, %add3A_233 : i32
        %mul3A_235 = arith.constant 104 : i32
        %mul3A_236 = arith.muli %add3A_234, %mul3A_235 : i32
        %add3A_237 = arith.addi %multiple_of3A, %mul3A_236 : i32
        %multiple_of3A_238 = tpu.assume_multiple %add3A_237, 8 : i32
        %dma_wait3A_239 = arith.constant 0 : i32
        %dma_wait3A_240 = tpu.memref_slice %arg6[%rem3A_232, %dma_wait3A_239] : memref<8x104xi32, #tpu.memory_space<vmem>> -> memref<1x104xi32, #tpu.memory_space<vmem>>
        %dma_wait3A_241 = tpu.memref_squeeze %dma_wait3A_240 : memref<1x104xi32, #tpu.memory_space<vmem>> -> memref<104xi32, #tpu.memory_space<vmem>>
        %dma_wait3A_242 = tpu.memref_slice %arg2[%multiple_of3A_238] : memref<320000xi32, #tpu.memory_space<hbm>> -> memref<104xi32, #tpu.memory_space<hbm>>
        %dma_wait3A_243 = arith.constant 0 : i32
        %dma_wait3A_244 = tpu.memref_slice %arg6[%rem3A_232, %dma_wait3A_243] : memref<8x104xi32, #tpu.memory_space<vmem>> -> memref<1x104xi32, #tpu.memory_space<vmem>>
        %dma_wait3A_245 = tpu.memref_squeeze %dma_wait3A_244 : memref<1x104xi32, #tpu.memory_space<vmem>> -> memref<104xi32, #tpu.memory_space<vmem>>
        %dma_wait3A_246 = tpu.memref_slice %arg2[%multiple_of3A_238] : memref<320000xi32, #tpu.memory_space<hbm>> -> memref<104xi32, #tpu.memory_space<hbm>>
        tpu.wait_dma2 semaphore(%arg11 : memref<!tpu.dma_semaphore, #tpu.memory_space<semaphore_mem>>) src(%dma_wait3A_246 : memref<104xi32, #tpu.memory_space<hbm>>) dst(%dma_wait3A_245 : memref<104xi32, #tpu.memory_space<vmem>>)
        %add3A_247 = arith.constant 2 : i32
        %add3A_248 = arith.addi %scan3A_189, %add3A_247 : i32
        %mul3A_249 = arith.constant 104 : i32
        %mul3A_250 = arith.muli %add3A_248, %mul3A_249 : i32
        %add3A_251 = arith.addi %multiple_of3A, %mul3A_250 : i32
        %multiple_of3A_252 = tpu.assume_multiple %add3A_251, 8 : i32
        %dma_wait3A_253 = arith.constant 0 : i32
        %dma_wait3A_254 = tpu.memref_slice %arg7[%rem3A_232, %dma_wait3A_253] : memref<8x104xi32, #tpu.memory_space<vmem>> -> memref<1x104xi32, #tpu.memory_space<vmem>>
        %dma_wait3A_255 = tpu.memref_squeeze %dma_wait3A_254 : memref<1x104xi32, #tpu.memory_space<vmem>> -> memref<104xi32, #tpu.memory_space<vmem>>
        %dma_wait3A_256 = tpu.memref_slice %arg3[%multiple_of3A_252] : memref<320000xi32, #tpu.memory_space<hbm>> -> memref<104xi32, #tpu.memory_space<hbm>>
        %dma_wait3A_257 = arith.constant 0 : i32
        %dma_wait3A_258 = tpu.memref_slice %arg7[%rem3A_232, %dma_wait3A_257] : memref<8x104xi32, #tpu.memory_space<vmem>> -> memref<1x104xi32, #tpu.memory_space<vmem>>
        %dma_wait3A_259 = tpu.memref_squeeze %dma_wait3A_258 : memref<1x104xi32, #tpu.memory_space<vmem>> -> memref<104xi32, #tpu.memory_space<vmem>>
        %dma_wait3A_260 = tpu.memref_slice %arg3[%multiple_of3A_252] : memref<320000xi32, #tpu.memory_space<hbm>> -> memref<104xi32, #tpu.memory_space<hbm>>
        tpu.wait_dma2 semaphore(%arg11 : memref<!tpu.dma_semaphore, #tpu.memory_space<semaphore_mem>>) src(%dma_wait3A_260 : memref<104xi32, #tpu.memory_space<hbm>>) dst(%dma_wait3A_259 : memref<104xi32, #tpu.memory_space<vmem>>)
        %add3A_261 = arith.constant 2 : i32
        %add3A_262 = arith.addi %scan3A_189, %add3A_261 : i32
        %rem3A_263 = arith.constant 3 : i32
        %rem3A_264 = arith.remsi %add3A_262, %rem3A_263 : i32
        %dma_start3A_265 = arith.constant 0 : i32
        %dma_start3A_266 = arith.constant 0 : i32
        %dma_start3A_267 = tpu.memref_slice %arg10[%rem3A_264, %dma_start3A_265, %dma_start3A_266] : memref<3x104x128xf32, #tpu.memory_space<vmem>> -> memref<1x104x128xf32, #tpu.memory_space<vmem>>
        %dma_start3A_268 = tpu.memref_squeeze %dma_start3A_267 : memref<1x104x128xf32, #tpu.memory_space<vmem>> -> memref<104x128xf32, #tpu.memory_space<vmem>>
        %dma_start3A_269 = arith.constant 0 : i32
        %dma_start3A_270 = tpu.memref_slice %arg6[%rem3A_232, %dma_start3A_269] : memref<8x104xi32, #tpu.memory_space<vmem>> -> memref<1x104xi32, #tpu.memory_space<vmem>>
        %dma_start3A_271 = tpu.memref_squeeze %dma_start3A_270 : memref<1x104xi32, #tpu.memory_space<vmem>> -> memref<104xi32, #tpu.memory_space<vmem>>
        %dma_start3A_272 = arith.constant 0 : i32
        %dma_start3A_273 = arith.constant 0 : i32
        %dma_start3A_274 = tpu.memref_slice %arg4[%dma_start3A_272, %dma_start3A_273] : memref<10240x128xf32, #tpu.memory_space<hbm>> -> memref<10240x128xf32, #tpu.memory_space<hbm>>
        tpu.enqueue_indirect_dma source(%dma_start3A_274 : memref<10240x128xf32, #tpu.memory_space<hbm>>) target(%dma_start3A_268 : memref<104x128xf32, #tpu.memory_space<vmem>>) offsets(%dma_start3A_271 : memref<104xi32, #tpu.memory_space<vmem>>) semaphore(%arg12 : memref<!tpu.dma_semaphore, #tpu.memory_space<semaphore_mem>>)
      } else {
      }
    }
    %scan3A_152 = arith.constant 96 : i32
    %rem3A = arith.constant 95 : i32
    %rem3A_153 = arith.constant 8 : i32
    %rem3A_154 = arith.remsi %rem3A, %rem3A_153 : i32
    %rem3A_155 = arith.constant 95 : i32
    %rem3A_156 = arith.constant 3 : i32
    %rem3A_157 = arith.remsi %rem3A_155, %rem3A_156 : i32
    %dma_wait3A_158 = arith.constant 0 : i32
    %dma_wait3A_159 = arith.constant 0 : i32
    %dma_wait3A_160 = tpu.memref_slice %arg10[%rem3A_157, %dma_wait3A_158, %dma_wait3A_159] : memref<3x104x128xf32, #tpu.memory_space<vmem>> -> memref<1x104x128xf32, #tpu.memory_space<vmem>>
    %dma_wait3A_161 = tpu.memref_squeeze %dma_wait3A_160 : memref<1x104x128xf32, #tpu.memory_space<vmem>> -> memref<104x128xf32, #tpu.memory_space<vmem>>
    %dma_wait3A_162 = arith.constant 0 : i32
    %dma_wait3A_163 = tpu.memref_slice %arg7[%rem3A_154, %dma_wait3A_162] : memref<8x104xi32, #tpu.memory_space<vmem>> -> memref<1x104xi32, #tpu.memory_space<vmem>>
    %dma_wait3A_164 = tpu.memref_squeeze %dma_wait3A_163 : memref<1x104xi32, #tpu.memory_space<vmem>> -> memref<104xi32, #tpu.memory_space<vmem>>
    %dma_wait3A_165 = arith.constant 0 : i32
    %dma_wait3A_166 = arith.constant 0 : i32
    %dma_wait3A_167 = tpu.memref_slice %arg14[%dma_wait3A_165, %dma_wait3A_166] : memref<10240x128xf32, #tpu.memory_space<vmem_shared>> -> memref<10240x128xf32, #tpu.memory_space<vmem_shared>>
    tpu.wait_indirect_dma semaphore(%arg13 : memref<!tpu.dma_semaphore, #tpu.memory_space<semaphore_mem>>) src(%dma_wait3A_161 : memref<104x128xf32, #tpu.memory_space<vmem>>) dst(%dma_wait3A_167 : memref<10240x128xf32, #tpu.memory_space<vmem_shared>>)
    %add3A_168 = arith.constant 9984 : i32
    %add3A_169 = arith.addi %multiple_of3A, %add3A_168 : i32
    "tpu.region"() ({
      %run_scoped3A_189 = tpu.sem_alloc : memref<!tpu.dma_semaphore, #tpu.memory_space<semaphore_mem>>
      %dma_start3A_190 = tpu.memref_slice %arg2[%add3A_169] : memref<320000xi32, #tpu.memory_space<hbm>> -> memref<16xi32, #tpu.memory_space<hbm>>
      %dma_start3A_191 = tpu.memref_slice %arg2[%add3A_169] : memref<320000xi32, #tpu.memory_space<hbm>> -> memref<16xi32, #tpu.memory_space<hbm>>
      tpu.enqueue_dma source(%dma_start3A_191 : memref<16xi32, #tpu.memory_space<hbm>>) target(%arg8 : memref<16xi32, #tpu.memory_space<vmem>>) target_semaphore(%run_scoped3A_189 : memref<!tpu.dma_semaphore, #tpu.memory_space<semaphore_mem>>)
      %dma_wait3A_192 = tpu.memref_slice %arg2[%add3A_169] : memref<320000xi32, #tpu.memory_space<hbm>> -> memref<16xi32, #tpu.memory_space<hbm>>
      %dma_wait3A_193 = tpu.memref_slice %arg2[%add3A_169] : memref<320000xi32, #tpu.memory_space<hbm>> -> memref<16xi32, #tpu.memory_space<hbm>>
      tpu.wait_dma2 semaphore(%run_scoped3A_189 : memref<!tpu.dma_semaphore, #tpu.memory_space<semaphore_mem>>) src(%dma_wait3A_193 : memref<16xi32, #tpu.memory_space<hbm>>) dst(%arg8 : memref<16xi32, #tpu.memory_space<vmem>>)
      tpu.yield
    }) : () -> ()
    %add3A_170 = arith.constant 9984 : i32
    %add3A_171 = arith.addi %multiple_of3A, %add3A_170 : i32
    "tpu.region"() ({
      %run_scoped3A_189 = tpu.sem_alloc : memref<!tpu.dma_semaphore, #tpu.memory_space<semaphore_mem>>
      %dma_start3A_190 = tpu.memref_slice %arg3[%add3A_171] : memref<320000xi32, #tpu.memory_space<hbm>> -> memref<16xi32, #tpu.memory_space<hbm>>
      %dma_start3A_191 = tpu.memref_slice %arg3[%add3A_171] : memref<320000xi32, #tpu.memory_space<hbm>> -> memref<16xi32, #tpu.memory_space<hbm>>
      tpu.enqueue_dma source(%dma_start3A_191 : memref<16xi32, #tpu.memory_space<hbm>>) target(%arg9 : memref<16xi32, #tpu.memory_space<vmem>>) target_semaphore(%run_scoped3A_189 : memref<!tpu.dma_semaphore, #tpu.memory_space<semaphore_mem>>)
      %dma_wait3A_192 = tpu.memref_slice %arg3[%add3A_171] : memref<320000xi32, #tpu.memory_space<hbm>> -> memref<16xi32, #tpu.memory_space<hbm>>
      %dma_wait3A_193 = tpu.memref_slice %arg3[%add3A_171] : memref<320000xi32, #tpu.memory_space<hbm>> -> memref<16xi32, #tpu.memory_space<hbm>>
      tpu.wait_dma2 semaphore(%run_scoped3A_189 : memref<!tpu.dma_semaphore, #tpu.memory_space<semaphore_mem>>) src(%dma_wait3A_193 : memref<16xi32, #tpu.memory_space<hbm>>) dst(%arg9 : memref<16xi32, #tpu.memory_space<vmem>>)
      tpu.yield
    }) : () -> ()
    %dma_start3A_172 = arith.constant 0 : i32
    %dma_start3A_173 = arith.constant 0 : i32
    %dma_start3A_174 = arith.constant 0 : i32
    %dma_start3A_175 = tpu.memref_slice %arg10[%dma_start3A_172, %dma_start3A_173, %dma_start3A_174] : memref<3x104x128xf32, #tpu.memory_space<vmem>> -> memref<1x16x128xf32, #tpu.memory_space<vmem>>
    %dma_start3A_176 = tpu.memref_squeeze %dma_start3A_175 : memref<1x16x128xf32, #tpu.memory_space<vmem>> -> memref<16x128xf32, #tpu.memory_space<vmem>>
    %dma_start3A_177 = arith.constant 0 : i32
    %dma_start3A_178 = arith.constant 0 : i32
    %dma_start3A_179 = tpu.memref_slice %arg4[%dma_start3A_177, %dma_start3A_178] : memref<10240x128xf32, #tpu.memory_space<hbm>> -> memref<10240x128xf32, #tpu.memory_space<hbm>>
    tpu.enqueue_indirect_dma source(%dma_start3A_179 : memref<10240x128xf32, #tpu.memory_space<hbm>>) target(%dma_start3A_176 : memref<16x128xf32, #tpu.memory_space<vmem>>) offsets(%arg8 : memref<16xi32, #tpu.memory_space<vmem>>) semaphore(%arg12 : memref<!tpu.dma_semaphore, #tpu.memory_space<semaphore_mem>>)
    %dma_wait3A_180 = arith.constant 0 : i32
    %dma_wait3A_181 = arith.constant 0 : i32
    %dma_wait3A_182 = arith.constant 0 : i32
    %dma_wait3A_183 = tpu.memref_slice %arg10[%dma_wait3A_180, %dma_wait3A_181, %dma_wait3A_182] : memref<3x104x128xf32, #tpu.memory_space<vmem>> -> memref<1x16x128xf32, #tpu.memory_space<vmem>>
    %dma_wait3A_184 = tpu.memref_squeeze %dma_wait3A_183 : memref<1x16x128xf32, #tpu.memory_space<vmem>> -> memref<16x128xf32, #tpu.memory_space<vmem>>
    %dma_wait3A_185 = arith.constant 0 : i32
    %dma_wait3A_186 = arith.constant 0 : i32
    %dma_wait3A_187 = tpu.memref_slice %arg4[%dma_wait3A_185, %dma_wait3A_186] : memref<10240x128xf32, #tpu.memory_space<hbm>> -> memref<10240x128xf32, #tpu.memory_space<hbm>>
    tpu.wait_indirect_dma semaphore(%arg12 : memref<!tpu.dma_semaphore, #tpu.memory_space<semaphore_mem>>) src(%dma_wait3A_187 : memref<10240x128xf32, #tpu.memory_space<hbm>>) dst(%dma_wait3A_184 : memref<16x128xf32, #tpu.memory_space<vmem>>)
    %run_scoped3A = arith.constant 0 : i32
    "tpu.region"() ({
      %run_scoped3A_189 = tpu.sem_alloc : memref<!tpu.dma_semaphore, #tpu.memory_space<semaphore_mem>>
      %dma_start3A_190 = arith.constant 0 : i32
      %dma_start3A_191 = arith.constant 0 : i32
      %dma_start3A_192 = tpu.memref_slice %arg10[%run_scoped3A, %dma_start3A_190, %dma_start3A_191] : memref<3x104x128xf32, #tpu.memory_space<vmem>> -> memref<1x16x128xf32, #tpu.memory_space<vmem>>
      %dma_start3A_193 = tpu.memref_squeeze %dma_start3A_192 : memref<1x16x128xf32, #tpu.memory_space<vmem>> -> memref<16x128xf32, #tpu.memory_space<vmem>>
      %dma_start3A_194 = arith.constant 0 : i32
      %dma_start3A_195 = arith.constant 0 : i32
      %dma_start3A_196 = tpu.memref_slice %arg14[%dma_start3A_194, %dma_start3A_195] : memref<10240x128xf32, #tpu.memory_space<vmem_shared>> -> memref<10240x128xf32, #tpu.memory_space<vmem_shared>>
      tpu.enqueue_indirect_dma source(%dma_start3A_193 : memref<16x128xf32, #tpu.memory_space<vmem>>) target(%dma_start3A_196 : memref<10240x128xf32, #tpu.memory_space<vmem_shared>>) offsets(%arg9 : memref<16xi32, #tpu.memory_space<vmem>>) semaphore(%run_scoped3A_189 : memref<!tpu.dma_semaphore, #tpu.memory_space<semaphore_mem>>) {add = true}
      %dma_wait3A_197 = arith.constant 0 : i32
      %dma_wait3A_198 = arith.constant 0 : i32
      %dma_wait3A_199 = tpu.memref_slice %arg10[%run_scoped3A, %dma_wait3A_197, %dma_wait3A_198] : memref<3x104x128xf32, #tpu.memory_space<vmem>> -> memref<1x16x128xf32, #tpu.memory_space<vmem>>
      %dma_wait3A_200 = tpu.memref_squeeze %dma_wait3A_199 : memref<1x16x128xf32, #tpu.memory_space<vmem>> -> memref<16x128xf32, #tpu.memory_space<vmem>>
      %dma_wait3A_201 = arith.constant 0 : i32
      %dma_wait3A_202 = arith.constant 0 : i32
      %dma_wait3A_203 = tpu.memref_slice %arg14[%dma_wait3A_201, %dma_wait3A_202] : memref<10240x128xf32, #tpu.memory_space<vmem_shared>> -> memref<10240x128xf32, #tpu.memory_space<vmem_shared>>
      tpu.wait_indirect_dma semaphore(%run_scoped3A_189 : memref<!tpu.dma_semaphore, #tpu.memory_space<semaphore_mem>>) src(%dma_wait3A_200 : memref<16x128xf32, #tpu.memory_space<vmem>>) dst(%dma_wait3A_203 : memref<10240x128xf32, #tpu.memory_space<vmem_shared>>)
      tpu.yield
    }) : () -> ()
    %barrier3A_188 = arith.constant 0 : index
    tpu.barrier barrier_id(%barrier3A_188)
    "tpu.region"() ({
      %run_scoped3A_189 = tpu.sem_alloc : memref<!tpu.dma_semaphore, #tpu.memory_space<semaphore_mem>>
      %dma_start3A_190 = arith.constant 0 : i32
      %dma_start3A_191 = tpu.memref_slice %arg5[%arg0, %multiple_of3A_5, %dma_start3A_190] : memref<2x10240x128xf32, #tpu.memory_space<hbm>> -> memref<1x640x128xf32, #tpu.memory_space<hbm>>
      %dma_start3A_192 = tpu.memref_squeeze %dma_start3A_191 : memref<1x640x128xf32, #tpu.memory_space<hbm>> -> memref<640x128xf32, #tpu.memory_space<hbm>>
      %dma_start3A_193 = arith.constant 0 : i32
      %dma_start3A_194 = tpu.memref_slice %arg14[%multiple_of3A_5, %dma_start3A_193] : memref<10240x128xf32, #tpu.memory_space<vmem_shared>> -> memref<640x128xf32, #tpu.memory_space<vmem_shared>>
      tpu.enqueue_dma source(%dma_start3A_194 : memref<640x128xf32, #tpu.memory_space<vmem_shared>>) target(%dma_start3A_192 : memref<640x128xf32, #tpu.memory_space<hbm>>) target_semaphore(%run_scoped3A_189 : memref<!tpu.dma_semaphore, #tpu.memory_space<semaphore_mem>>)
      %dma_wait3A_195 = arith.constant 0 : i32
      %dma_wait3A_196 = tpu.memref_slice %arg5[%arg0, %multiple_of3A_5, %dma_wait3A_195] : memref<2x10240x128xf32, #tpu.memory_space<hbm>> -> memref<1x640x128xf32, #tpu.memory_space<hbm>>
      %dma_wait3A_197 = tpu.memref_squeeze %dma_wait3A_196 : memref<1x640x128xf32, #tpu.memory_space<hbm>> -> memref<640x128xf32, #tpu.memory_space<hbm>>
      %dma_wait3A_198 = arith.constant 0 : i32
      %dma_wait3A_199 = tpu.memref_slice %arg14[%multiple_of3A_5, %dma_wait3A_198] : memref<10240x128xf32, #tpu.memory_space<vmem_shared>> -> memref<640x128xf32, #tpu.memory_space<vmem_shared>>
      tpu.wait_dma2 semaphore(%run_scoped3A_189 : memref<!tpu.dma_semaphore, #tpu.memory_space<semaphore_mem>>) src(%dma_wait3A_199 : memref<640x128xf32, #tpu.memory_space<vmem_shared>>) dst(%dma_wait3A_197 : memref<640x128xf32, #tpu.memory_space<hbm>>)
      tpu.yield
    }) : () -> ()
    return
  }
}

module attributes {stable_mosaic.version = 14 : i64} {
  func.func @_norm_body(%arg0: memref<10240x128xf32, #tpu.memory_space<vmem>>, %arg1: memref<10240x2xf32, #tpu.memory_space<vmem>>, %arg2: memref<10240x128xf32, #tpu.memory_space<vmem>>, %arg3: memref<10240x1xf32, #tpu.memory_space<vmem>>) attributes {dimension_semantics = [], scalar_prefetch = 0 : i64, scratch_operands = 0 : i64, tpu.core_type = #tpu.core_type<tc>} {
    %get3A = arith.constant 0 : index
    %get3A_0 = arith.constant 0 : index
    %get3A_1 = vector.load %arg1[%get3A, %get3A_0] : memref<10240x2xf32, #tpu.memory_space<vmem>>, vector<10240x1xf32>
    %get3A_2 = arith.constant 0 : index
    %get3A_3 = arith.constant 1 : index
    %get3A_4 = vector.load %arg1[%get3A_2, %get3A_3] : memref<10240x2xf32, #tpu.memory_space<vmem>>, vector<10240x1xf32>
    %add3A = arith.addf %get3A_1, %get3A_4 : vector<10240x1xf32>
    %add3A_5 = arith.constant 1.000000e+00 : f32
    %add3A_6 = vector.broadcast %add3A_5 : f32 to vector<10240x1xf32>
    %add3A_7 = arith.addf %add3A, %add3A_6 : vector<10240x1xf32>
    %rsqrt3A = math.rsqrt %add3A_7 : vector<10240x1xf32>
    %swap3A = arith.constant 0 : index
    %swap3A_8 = arith.constant 0 : index
    %swap3A_9 = vector.load %arg3[%swap3A, %swap3A_8] : memref<10240x1xf32, #tpu.memory_space<vmem>>, vector<10240x1xf32>
    tpu.vector_store %arg3[%swap3A, %swap3A_8], %rsqrt3A {strides = array<i32>} : memref<10240x1xf32, #tpu.memory_space<vmem>>, vector<10240x1xf32>,
    %get3A_10 = arith.constant 0 : index
    %get3A_11 = arith.constant 0 : index
    %get3A_12 = vector.load %arg0[%get3A_10, %get3A_11] : memref<10240x128xf32, #tpu.memory_space<vmem>>, vector<10240x128xf32>
    %mul3A = vector.broadcast %rsqrt3A : vector<10240x1xf32> to vector<10240x128xf32>
    %mul3A_13 = arith.mulf %get3A_12, %mul3A : vector<10240x128xf32>
    %swap3A_14 = arith.constant 0 : index
    %swap3A_15 = arith.constant 0 : index
    %swap3A_16 = vector.load %arg2[%swap3A_14, %swap3A_15] : memref<10240x128xf32, #tpu.memory_space<vmem>>, vector<10240x128xf32>
    tpu.vector_store %arg2[%swap3A_14, %swap3A_15], %mul3A_13 {strides = array<i32>} : memref<10240x128xf32, #tpu.memory_space<vmem>>, vector<10240x128xf32>,
    return
  }
}

module attributes {stable_mosaic.version = 14 : i64} {
  func.func @_fin_body(%arg0: i32, %arg1: memref<2x1000x128xf32, #tpu.memory_space<vmem>>, %arg2: memref<1000x128xf32, #tpu.memory_space<vmem>>, %arg3: memref<1000x1xf32, #tpu.memory_space<vmem>>, %arg4: memref<1000x128xf32, #tpu.memory_space<vmem>>) attributes {dimension_semantics = [#tpu.dimension_semantics<arbitrary>], iteration_bounds = array<i64: 10>, scalar_prefetch = 0 : i64, scratch_operands = 0 : i64, tpu.core_type = #tpu.core_type<tc>, window_params = [{transform_indices = @transform_0, window_bounds = array<i64: 2, 1000, 128>}, {transform_indices = @transform_1, window_bounds = array<i64: 1000, 128>}, {transform_indices = @transform_2, window_bounds = array<i64: 1000, 1>}, {transform_indices = @transform_3, window_bounds = array<i64: 1000, 128>}]} {
    %get3A = arith.constant 0 : index
    %get3A_0 = arith.constant 0 : index
    %get3A_1 = vector.load %arg3[%get3A, %get3A_0] : memref<1000x1xf32, #tpu.memory_space<vmem>>, vector<1000x1xf32>
    %get3A_2 = arith.constant 0 : index
    %get3A_3 = arith.constant 0 : index
    %get3A_4 = arith.constant 0 : index
    %get3A_5 = vector.load %arg1[%get3A_2, %get3A_3, %get3A_4] : memref<2x1000x128xf32, #tpu.memory_space<vmem>>, vector<1x1000x128xf32>
    %get3A_6 = vector.shape_cast %get3A_5 : vector<1x1000x128xf32> to vector<1000x128xf32>
    %get3A_7 = arith.constant 1 : index
    %get3A_8 = arith.constant 0 : index
    %get3A_9 = arith.constant 0 : index
    %get3A_10 = vector.load %arg1[%get3A_7, %get3A_8, %get3A_9] : memref<2x1000x128xf32, #tpu.memory_space<vmem>>, vector<1x1000x128xf32>
    %get3A_11 = vector.shape_cast %get3A_10 : vector<1x1000x128xf32> to vector<1000x128xf32>
    %add3A = arith.addf %get3A_6, %get3A_11 : vector<1000x128xf32>
    %get3A_12 = arith.constant 0 : index
    %get3A_13 = arith.constant 0 : index
    %get3A_14 = vector.load %arg2[%get3A_12, %get3A_13] : memref<1000x128xf32, #tpu.memory_space<vmem>>, vector<1000x128xf32>
    %sub3A = arith.subf %add3A, %get3A_14 : vector<1000x128xf32>
    %mul3A = vector.broadcast %get3A_1 : vector<1000x1xf32> to vector<1000x128xf32>
    %mul3A_15 = arith.mulf %mul3A, %sub3A : vector<1000x128xf32>
    %swap3A = arith.constant 0 : index
    %swap3A_16 = arith.constant 0 : index
    %swap3A_17 = vector.load %arg4[%swap3A, %swap3A_16] : memref<1000x128xf32, #tpu.memory_space<vmem>>, vector<1000x128xf32>
    tpu.vector_store %arg4[%swap3A, %swap3A_16], %mul3A_15 {strides = array<i32>} : memref<1000x128xf32, #tpu.memory_space<vmem>>, vector<1000x128xf32>,
    return
  }
  func.func @transform_0(%arg0: i32) -> (i32, i32, i32) {
    %c0_i32 = arith.constant 0 : i32
    %c0_i32_0 = arith.constant 0 : i32
    %c0_i32_1 = arith.constant 0 : i32
    return %c0_i32, %arg0, %c0_i32_0 : i32, i32, i32
  }
  func.func @transform_1(%arg0: i32) -> (i32, i32) {
    %c0_i32 = arith.constant 0 : i32
    %c0_i32_0 = arith.constant 0 : i32
    return %arg0, %c0_i32 : i32, i32
  }
  func.func @transform_2(%arg0: i32) -> (i32, i32) {
    %c0_i32 = arith.constant 0 : i32
    %c0_i32_0 = arith.constant 0 : i32
    return %arg0, %c0_i32 : i32, i32
  }
  func.func @transform_3(%arg0: i32) -> (i32, i32) {
    %c0_i32 = arith.constant 0 : i32
    %c0_i32_0 = arith.constant 0 : i32
    return %arg0, %c0_i32 : i32, i32
  }
}

</mosaic_0001>

<sc_bundles>
// kernel: kernel.6.cloned.1.call-start
scs
__scs_entry_jumppad:
0x0: {  	(pc) =	sbr.rel $0x88, $3  }
0x1: {  	(tag) =	ssettag $0x0;
	lr =	simm.s32 $0x1  }
0x2: {  	[smem:$0x3F9F] =	sst lr;
	_ =	strace $0xD0000000  }
0x3: {  	_ = 	snop  }
0x4: {  	_ = 	snop  }
0x5: {  	_ = 	snop  }
0x6: {  	_ = 	snop  }
0x7: {  	_ = 	snop  }
__scs_overlays_trampoline_lowered:
0x8: {  	[smem:$0x3FAE] =	sst s0  }
0x9: {  	[smem:$0x3FAF] =	sst s1  }
0xa: {  	[smem:$0x3FB0] =	sst s2  }
0xb: {  	[smem:$0x3FB1] =	sst s3  }
0xc: {  	[smem:$0x3FB2] =	sst s4  }
0xd: {  	[smem:$0x3FB3] =	sst s5  }
0xe: {  	[smem:$0x3FB4] =	sst s6  }
0xf: {  	[smem:$0x3FB5] =	sst s7  }
0x10: {  	[smem:$0x3FB6] =	sst s8  }
0x11: {  	[smem:$0x3FB7] =	sst s9;
	s0 =	simm.s32 @!p0 $0x0  }
0x12: {  	s1 =	sld [smem:$0x3F9D];
	s0 =	simm.s32 @p0 $0x1  }
0x13: {  	[smem:$0x3FB8] =	sst s0;
	s0 =	simm.s32 @!p1 $0x0  }
0x14: {  	s2 =	sld [smem:$0x3F9C];
	s0 =	simm.s32 @p1 $0x1  }
0x15: {  	[smem:$0x3FB9] =	sst s0;
	s0 =	simm.s32 @!p2 $0x0  }
0x16: {  	s3 =	sld [smem:$0x3FDB];
	s0 =	simm.s32 @p2 $0x1  }
0x17: {  	s4 =	simm.s32 $0x1BF5;
	[smem:$0x3FBB] =	sst s0  }
0x18: {  	s0 =	sld [smem:$0x3F9E];
	_ =	swait.ge [sflag:s4], $0x0  }
0x19: {  	s7 =	sld [smem:$0x3F9F]  }
0x1a: {  	s8 =	sadd.s32 $0xFFFFE003, lr  }
0x1b: {  	s9 =	sadd.s32 $0xFFFFFEF7, lr;
	s5 =	simm.s32 $0xFFFFFFFF;
	p2 =	slt.u32 s8, $0xFFFFF086  }
0x1c: {  	p1 =	slt.u32 s9, $0xF7A;
	s5 =	simm.s32 @!p2 $0x0  }
0x1d: {  	s5 =	simm.s32 @p1 $0x1;
	p0 =	seq.s32 s7, s2  }
0x1e: {  	s7 =	smul.u32 @!p0 $0xF7A, s2;
	p2 =	seq.s32 @!p0 s5, $0x0  }
0x1f: {  	s9 =	smul.u32 $0xF7A, s1;
	s8 =	simm.s32 @!p0 $0x1BF5;
	p2 =	por !p2, p0  }
0x20: {  	[sflag:s8] =	ssyncset.s32 @!p0 $0xFFFFF086;
	s6 =	sadd.s32 @!p0 s3, s7;
	s7 =	simm.s32 @!p0 $0x108  }
0x21: {  	s3 =	sadd.s32 s3, s9;
	s6 =	sadd.s32 @!p0 $0x88, s6;
	s7 =	simm.s32 @p2 $0x1082  }
0x22: {  	[simem:s7], [sflag:s8] =	dma.local @!p0 [hbm:s6], $0xF7A  }
0x23: {  	s9 =	sor.u32 $0xD0000000, s2;
	s6 =	simm.s32 $0x108;
	_ =	swait.ge @!p0 [sflag:s8], $0x0  }
0x24: {  	s3 =	sadd.s32 $0x88, s3;
	s6 =	simm.s32 @!p1 $0x1082;
	[sflag:s4] =	ssyncset.s32 $0xFFFFF086  }
0x25: {  	[simem:s6], [sflag:s4] =	dma.local [hbm:s3], $0xF7A  }
0x26: {  	[smem:$0x3F9F] =	sst s1;
	(tag) =	ssettag s2;
	_ =	strace s9  }
0x27: {  	s1 =	sld [smem:$0x3FAF]  }
0x28: {  	s2 =	sld [smem:$0x3FB0]  }
0x29: {  	s4 =	sld [smem:$0x3FB2]  }
0x2a: {  	p0 =	seq.s32 s5, $0x0;
	s5 =	sld [smem:$0x3FB3]  }
0x2b: {  	s6 =	sld [smem:$0x3FB4]  }
0x2c: {  	s7 =	sld [smem:$0x3FB5]  }
0x2d: {  	s3 =	simm.s32 $0x108;
	s8 =	sld [smem:$0x3FB6]  }
0x2e: {  	s3 =	simm.s32 @!p0 $0x1082;
	s9 =	sld [smem:$0x3FB7]  }
0x2f: {  	lr =	sadd.s32 s0, s3;
	s0 =	sld [smem:$0x3FAE]  }
0x30: {  	s3 =	sld [smem:$0x3FB1]  }
0x31: {  	[smem:$0x3FBA] =	sst s10  }
0x32: {  	s10 =	sld [smem:$0x3FB8];
	_ =	sdelay $0x3  }
0x33: {  	p0 =	seq.s32 s10, $0x1;
	s10 =	sld [smem:$0x3FBA];
	_ =	sdelay $0x3  }
0x34: {  	[smem:$0x3FBA] =	sst s10  }
0x35: {  	s10 =	sld [smem:$0x3FB9];
	_ =	sdelay $0x3  }
0x36: {  	p1 =	seq.s32 s10, $0x1;
	s10 =	sld [smem:$0x3FBA];
	_ =	sdelay $0x3  }
0x37: {  	[smem:$0x3FBA] =	sst s10  }
0x38: {  	s10 =	sld [smem:$0x3FBB]  }
0x39: {  	_ = 	snop;
	(pc) =	sbr.ind lr, $3  }
0x3a: {  	_ = 	snop  }
0x3b: {  	_ = 	snop  }
0x3c: {  	p2 =	seq.s32 s10, $0x1;
	s10 =	sld [smem:$0x3FBA]  }
0x3d: {  	_ =	shalt  }
0x3e: {  	_ =	shalt  }
0x3f: {  	_ =	shalt  }
0x40: {  	_ =	shalt  }
0x41: {  	_ =	shalt  }
0x42: {  	_ =	shalt  }
0x43: {  	_ =	shalt  }
0x44: {  	_ =	shalt  }
0x45: {  	_ =	shalt  }
0x46: {  	_ =	shalt  }
0x47: {  	_ =	shalt  }
0x48: {  	_ =	shalt  }
0x49: {  	_ =	shalt  }
0x4a: {  	_ =	shalt  }
0x4b: {  	_ =	shalt  }
0x4c: {  	_ =	shalt  }
0x4d: {  	_ =	shalt  }
0x4e: {  	_ =	shalt  }
0x4f: {  	_ =	shalt  }
0x50: {  	_ =	shalt  }
0x51: {  	_ =	shalt  }
0x52: {  	_ =	shalt  }
0x53: {  	_ =	shalt  }
0x54: {  	_ =	shalt  }
0x55: {  	_ =	shalt  }
0x56: {  	_ =	shalt  }
0x57: {  	_ =	shalt  }
0x58: {  	_ =	shalt  }
0x59: {  	_ =	shalt  }
0x5a: {  	_ =	shalt  }
0x5b: {  	_ =	shalt  }
0x5c: {  	_ =	shalt  }
0x5d: {  	_ =	shalt  }
0x5e: {  	_ =	shalt  }
0x5f: {  	_ =	shalt  }
0x60: {  	_ =	shalt  }
0x61: {  	_ =	shalt  }
0x62: {  	_ =	shalt  }
0x63: {  	_ =	shalt  }
0x64: {  	_ =	shalt  }
0x65: {  	_ =	shalt  }
0x66: {  	_ =	shalt  }
0x67: {  	_ =	shalt  }
0x68: {  	_ =	shalt  }
0x69: {  	_ =	shalt  }
0x6a: {  	_ =	shalt  }
0x6b: {  	_ =	shalt  }
0x6c: {  	_ =	shalt  }
0x6d: {  	_ =	shalt  }
0x6e: {  	_ =	shalt  }
0x6f: {  	_ =	shalt  }
0x70: {  	_ =	shalt  }
0x71: {  	_ =	shalt  }
0x72: {  	_ =	shalt  }
0x73: {  	_ =	shalt  }
0x74: {  	_ =	shalt  }
0x75: {  	_ =	shalt  }
0x76: {  	_ =	shalt  }
0x77: {  	_ =	shalt  }
0x78: {  	_ =	shalt  }
0x79: {  	_ =	shalt  }
0x7a: {  	_ =	shalt  }
0x7b: {  	_ =	shalt  }
0x7c: {  	_ =	shalt  }
0x7d: {  	_ =	shalt  }
0x7e: {  	_ =	shalt  }
0x7f: {  	_ =	shalt  }
0x80: {  	_ =	shalt  }
0x81: {  	_ =	shalt  }
0x82: {  	_ =	shalt  }
0x83: {  	_ =	shalt  }
0x84: {  	_ =	shalt  }
0x85: {  	_ =	shalt  }
0x86: {  	_ =	shalt  }
0x87: {  	_ =	shalt  }
.Lfunc_end0:
.L_simem_size_0:
called_computation_lowered:
.L_overlay_start_0:
0x88: {  	s2 =	sld [smem:$0x3FD9]  }
0x89: {  	s3 =	sld [smem:$0x3FFE];
	_ =	sdelay $0x1  }
0x8a: {  	s1 =	srdreg.scid  }
0x8b: {  	s0 =	sand.u32 $0x1, s1  }
0x8c: {  	s17 =	sshll.u32 s0, $0xA;
	s2 =	sadd.s32 s3, s2  }
0x8d: {  	s2 =	sadd.s32 s2, s17  }
0x8e: {  	[smem:$0x3FC6] =	sst s2  }
0x8f: {  	_ = 	snop  }
0x90: {  	s2 =	sld [smem:$0x3FD0];
	(tm) =	ssettm $0x1  }
0x91: {  	s18 =	sld [smem:$0x3FFB];
	_ =	sdelay $0x3  }
0x92: {  	_ =	strace s18  }
0x93: {  	s3 =	sld [smem:$0x3FFC];
	_ =	sdelay $0x3  }
0x94: {  	_ =	strace s3  }
0x95: {  	s3 =	sld [smem:$0x3FFD];
	_ =	sdelay $0x3  }
0x96: {  	_ =	strace s3  }
0x97: {  	_ =	strace $0x8FFFFFFF  }
0x98: {  	s19 =	sld [smem:$0x3FDB];
	_ =	sdelay $0x1  }
0x99: {  	s4 =	simm.s32 $_scs_section_size  }
0x9a: {  	s5 =	simm.s32 $_size__tile_overlayer_lowered;
	s6 =	simm.s32 $_tile_overlayer_lowered  }
0x9b: {  	s22 =	simm.s32 $0x1BFF;
	s21 =	sshll.u32 s6, $0x1;
	s3 =	sadd.s32 s4, s19  }
0x9c: {  	s7 =	simm.s32 $0x0;
	s20 =	sshll.u32 s5, $0x1;
	s5 =	sadd.s32 s21, s3  }
0x9d: {  	[timem:s7], [sflag:s22] =	dma.local [hbm:s5], s20  }
0x9e: {  	_ =	swait.ge [sflag:s22], s20  }
0x9f: {  	s4 =	ssub.s32 $0x0, s20;
	[sflag:s22] =	ssyncset.done $0x0  }
0xa0: {  	[sflag:s22] =	ssyncadd.s32 s4;
	_ =	sdelay $0x1  }
0xa1: {  	s23 =	simm.s32 $0x1B8B  }
0xa2: {  	_ =	swait.ge [sflag:s23], $0x1  }
0xa3: {  	[sflag:s23] =	ssyncset.done $0x0  }
0xa4: {  	s25 =	simm.s32 $0x1B8E;
	s24 =	sld [smem:$0x3FFE];
	[sflag:s23] =	ssyncadd.s32 $0xFFFFFFFF  }
0xa5: {  	s26 =	simm.s32 $execute0_lowered;
	[smem:$0x3FD2] =	sst s25  }
0xa6: {  	s5 =	sshll.u32 s26, $0x1;
	_ =	strace $0x80000046;
	[dreg:$0x1] =	wrdreg $0xFFFFFFFF  }
0xa7: {  	s28 =	simm.s32 $_size_execute0_lowered;
	s3 =	sadd.s32 s3, s5;
	[dreg:$0x0] =	wrdreg $0x0  }
0xa8: {  	s5 =	sshll.u32 s28, $0x1;
	[dreg:$0x2] =	wrdreg s3  }
0xa9: {  	[dreg:$0x3] =	wrdreg s5  }
0xaa: {  	[dreg:$0x4] =	wrdreg $0xC0  }
0xab: {  	_ =	task [dreg:s7], $0x5FFFF  }
0xac: {  	[dreg:$0x1] =	wrdreg $0xFFFFFFFF  }
0xad: {  	[dreg:$0x0] =	wrdreg $0x60  }
0xae: {  	[dreg:$0x2] =	wrdreg s2  }
0xaf: {  	[dreg:$0x3] =	wrdreg s24  }
0xb0: {  	[dreg:$0x4] =	wrdreg $0x7800  }
0xb1: {  	[dreg:$0x5] =	wrdreg $0x9  }
0xb2: {  	_ =	task.clear_ibuf [dreg:s7], $0x6FFFF;
	_ =	strace $0x90000046  }
0xb3: {  	s29 =	simm.s32 $0x9;
	_ =	strace $0x80000048  }
0xb4: {  	_ =	swait.ge [sflag:s29], $0x1  }
0xb5: {  	[sflag:s29] =	ssyncadd.s32 $0xFFFFFFFF  }
0xb6: {  	_ =	strace $0x90000048  }
0xb7: {  	_ =	sfence  }
0xb8: {  	s30 =	sld [smem:$0x0];
	_ =	sdelay $0x2  }
0xb9: {  	s31 =	sshll.u32 s1, $0xD;
	s1 =	sshrl.u32 s1, $0x2  }
0xba: {  	s3 =	sand.u32 $0x4000, s31;
	s1 =	sadd.s32 s1, s30  }
0xbb: {  	s0 =	sor.u32 s3, s0;
	s1 =	sshll.u32 s1, $0x11  }
0xbc: {  	s0 =	sor.u32 s1, s0  }
0xbd: {  	s0 =	sadd.s32 $0x8F2B, s0  }
0xbe: {  	[sflag:s0] =	ssyncadd.remote.s32 $0x1  }
0xbf: {  	_ =	sfence.sel $0xFFFF  }
0xc0: {  	[dreg:$0x0] =	wrdreg $0xFFFFFFFF;
	(pc) =	sbr.abs _section_cstart, $3  }
0xc1: {  	[dreg:$0x1] =	wrdreg $0xFFFFFFFF  }
0xc2: {  	_ =	task.clear_ibuf [dreg:s7], $0x2FFFF;
	_ =	strace $0x9FFFFFFF  }
0xc3: {  	(tm) =	ssettm $0x7FFFFFFF  }
tec
execute0_lowered:
.L_overlay_start_1:
0x0: {  	(tag) =	ssettag $0x1  }
0x1: {  	s0 =	rddreg [dreg:$0x0]  }
0x2: {  	s1 =	rddreg [dreg:$0x1]  }
0x3: {  	s3 =	srdreg.scid;
	s12 =	stileid.u32  }
0x4: {  	s2 =	rddreg [dreg:$0x2];
	s15 =	simm.s32 $0x3;
	s16 =	simm.s32 $0x80  }
0x5: {  	s17 =	simm.s32 $0x100;
	s18 =	simm.s32 $0x180;
	s19 =	simm.s32 $0x1  }
0x6: {  	s20 =	simm.s32 $0x68;
	s21 =	simm.s32 $0x480;
	s22 =	simm.s32 $0x200  }
0x7: {  	s23 =	simm.s32 $0x2;
	s24 =	simm.s32 $0x400;
	s25 =	simm.s32 $0x10  }
0x8: {  	s4 =	sand.u32 $0x1, s3;
	s5 =	smul.u32 $0x280, s12;
	s3 =	simm.s32 $0x0  }
0x9: {  	s6 =	smul.u32 $0x2800, s4;
	[smem:$0x7FF] =	sst s3;
	s7 =	sshll.u32 s4, $0x4  }
0xa: {  	s8 =	ssub.s32 $0x2, s4;
	s28 =	smul.u32 $0x27100, s4;
	s7 =	sor.u32 s12, s7  }
0xb: {  	s9 =	sshrl.u32 s8, $0x1;
	_ =	strace $0x80000047;
	s12 =	smul.u32 $0x2710, s12  }
0xc: {  	s6 =	sadd.s32 s5, s6;
	s10 =	smul.u32 $0x2710, s7;
	s11 =	ssub.s32 s8, s9  }
0xd: {  	s5 =	sadd.s32 s5, s2;
	s6 =	sshrl.u32 s6, $0x3;
	s12 =	sadd.s32 s12, s28  }
0xe: {  	s1 =	sadd.s32 s6, s1;
	s26 =	sshrl.u32 s10, $0x3;
	s7 =	sadd.s32 $0x68, s10  }
0xf: {  	s10 =	sadd.s32 $0x138, s10;
	s12 =	sadd.s32 $0x208, s12;
	s4 =	sadd.s32 s0, s26  }
0x10: {  	s29 =	sshrl.u32 s7, $0x3;
	s9 =	sadd.s32 $0xB400, s1;
	s30 =	sshrl.u32 s10, $0x3  }
0x11: {  	s10 =	smax.u32 s11, $0x1;
	s31 =	sshrl.u32 s12, $0x3;
	s26 =	simm.s32 $0x0  }
0x12: {  	s6 =	sadd.s32 s0, s29;
	s7 =	sadd.s32 $0x1A, s4;
	s8 =	sadd.s32 $0x4E0, s4  }
0x13: {  	v0 =	vimm.f32 $1.000000000e+00;
	v1 =	vimm.f32 $0.0e+00;
	s11 =	sadd.s32 s0, s30;
	s12 =	sadd.s32 $0x34, s4;
	s13 =	sadd.s32 s31, s0  }
.LBB2_1:
0x14: {  	[tilespmem:$0x480] =	vst v0  }
0x15: {  	[tilespmem:$0x490] =	vst v0  }
0x16: {  	[tilespmem:$0x4A0] =	vst v0  }
0x17: {  	[tilespmem:$0x4B0] =	vst v0  }
0x18: {  	[tilespmem:$0x4C0] =	vst v0  }
0x19: {  	[tilespmem:$0x4D0] =	vst v0  }
0x1a: {  	[tilespmem:$0x4E0] =	vst v0  }
0x1b: {  	[tilespmem:$0x4F0] =	vst v0  }
0x1c: {  	[tilespmem:$0x500] =	vst v1  }
0x1d: {  	[tilespmem:$0x510] =	vst v1  }
0x1e: {  	[tilespmem:$0x520] =	vst v1  }
0x1f: {  	[tilespmem:$0x530] =	vst v1  }
0x20: {  	[tilespmem:$0x540] =	vst v1  }
0x21: {  	[tilespmem:$0x550] =	vst v1  }
0x22: {  	[tilespmem:$0x560] =	vst v1  }
0x23: {  	[tilespmem:$0x570] =	vst v1  }
0x24: {  	[tilespmem:$0x580] =	vst v1  }
0x25: {  	[tilespmem:$0x590] =	vst v1  }
0x26: {  	[tilespmem:$0x5A0] =	vst v1  }
0x27: {  	[tilespmem:$0x5B0] =	vst v1  }
0x28: {  	[tilespmem:$0x5C0] =	vst v1  }
0x29: {  	[tilespmem:$0x5D0] =	vst v1  }
0x2a: {  	[tilespmem:$0x5E0] =	vst v1  }
0x2b: {  	[tilespmem:$0x5F0] =	vst v1  }
0x2c: {  	[tilespmem:$0x600] =	vst v1  }
0x2d: {  	[tilespmem:$0x610] =	vst v1  }
0x2e: {  	[tilespmem:$0x620] =	vst v1  }
0x2f: {  	[tilespmem:$0x630] =	vst v1  }
0x30: {  	[tilespmem:$0x640] =	vst v1  }
0x31: {  	[tilespmem:$0x650] =	vst v1  }
0x32: {  	[tilespmem:$0x660] =	vst v1  }
0x33: {  	[tilespmem:$0x670] =	vst v1  }
0x34: {  	[tilespmem:$0x680] =	vst v1  }
0x35: {  	[tilespmem:$0x690] =	vst v1  }
0x36: {  	[tilespmem:$0x6A0] =	vst v1  }
0x37: {  	[tilespmem:$0x6B0] =	vst v1  }
0x38: {  	[tilespmem:$0x6C0] =	vst v1  }
0x39: {  	[tilespmem:$0x6D0] =	vst v1  }
0x3a: {  	[tilespmem:$0x6E0] =	vst v1  }
0x3b: {  	[tilespmem:$0x6F0] =	vst v1  }
0x3c: {  	[tilespmem:$0x700] =	vst v1  }
0x3d: {  	[tilespmem:$0x710] =	vst v1  }
0x3e: {  	[tilespmem:$0x720] =	vst v1  }
0x3f: {  	[tilespmem:$0x730] =	vst v1  }
0x40: {  	[tilespmem:$0x740] =	vst v1  }
0x41: {  	[tilespmem:$0x750] =	vst v1  }
0x42: {  	[tilespmem:$0x760] =	vst v1  }
0x43: {  	[tilespmem:$0x770] =	vst v1;
	s0 =	simm.s32 $0x500  }
0x44: {  	[spmem:s5] =	stream.linear.scatter [tilespmem:s0], [sflag:$0x3], $0x280, $0x38;
	[tilespmem:$0xA00] =	vst v63  }
0x45: {  	_ =	swait.ge [sflag:s15], $0x280  }
0x46: {  	[sflag:s15] =	ssyncset.done $0x0  }
0x47: {  	[sflag:s15] =	ssyncadd.s32 $0xFFFFFD80  }
0x48: {  	[tilespmem:s3], [sflag:$0x1] =	stream.linear.gather [hbm4b:s4+s3], $0x68, $0x38;
	[tilespmem:$0xA00] =	vst v63  }
0x49: {  	_ = 	snop  }
0x4a: {  	[tilespmem:s16], [sflag:$0x1] =	stream.linear.gather [hbm4b:s6+s3], $0x68, $0x38;
	[tilespmem:$0xA00] =	vst v63  }
0x4b: {  	_ = 	snop  }
0x4c: {  	[tilespmem:s17], [sflag:$0x1] =	stream.linear.gather [hbm4b:s7+s3], $0x68, $0x38;
	[tilespmem:$0xA00] =	vst v63  }
0x4d: {  	[bflag:$0x0] =	sbarrier.arrive $0xFFFF  }
0x4e: {  	[tilespmem:s18], [sflag:$0x1] =	stream.linear.gather [hbm4b:s11+s3], $0x68, $0x38;
	[tilespmem:$0xA00] =	vst v63  }
0x4f: {  	_ =	swait.ge [sflag:s19], $0x68  }
0x50: {  	[sflag:s19] =	ssyncset.done $0x0  }
0x51: {  	[sflag:s19] =	ssyncadd.s32 $0xFFFFFF98  }
0x52: {  	[spmem:s2] =	stream.indirect.scatter.add.f32 [tilespmem:s21], [sflag:$0x2], $0x1, s3, s20, $0xb8;
	[tilespmem:$0xA00] =	vst v63  }
0x53: {  	_ = 	snop  }
0x54: {  	[tilespmem:s22], [sflag:$0x1] =	stream.linear.gather [hbm4b:s12+s3], $0x68, $0x38;
	[tilespmem:$0xA00] =	vst v63  }
0x55: {  	_ =	swait.ge [sflag:s19], $0x68  }
0x56: {  	p0 =	por $0x0, $0x0;
	s0 =	simm.s32 $0xA00;
	[sflag:s19] =	ssyncset.done $0x0  }
0x57: {  	s0 =	sand.u32 @!p0 $0xE00, s0;
	[sflag:s19] =	ssyncadd.s32 $0xFFFFFF98  }
0x58: {  	[spmem:s2] =	stream.indirect.scatter.add.f32 [tilespmem:s21], [sflag:$0x2], $0x1, s16, s20, $0xb8;
	[tilespmem:$0xA00] =	vst v63  }
0x59: {  	s1 =	simm.s32 @!p0 $0x0;
	s0 =	sshrl.u32 @!p0 s0, $0x2  }
0x5a: {  	[tilespmem:s0], [sflag:$0x1] =	stream.linear.gather @!p0 [hbm4b:s13+s1], $0x68, $0x38;
	[tilespmem:$0xA00] =	vst v63  }
0x5b: {  	s28 =	simm.s32 $0xC00;
	s14 =	simm.s32 $0x400;
	_ =	swait.ge [sflag:s19], $0x68  }
0x5c: {  	s29 =	simm.s32 $0xE00;
	s0 =	sand.u32 $0xE00, s14;
	[sflag:s19] =	ssyncset.done $0x0  }
0x5d: {  	s30 =	simm.s32 $0x3;
	s0 =	sshrl.u32 s0, $0x2;
	[sflag:s19] =	ssyncadd.s32 $0xFFFFFF98  }
0x5e: {  	[spmem:s2] =	stream.indirect.scatter.add.f32 [tilespmem:s21], [sflag:$0x2], $0x1, s0, s20, $0xb8;
	[tilespmem:$0xA00] =	vst v63  }
0x5f: {  	s31 =	sadd.s32 $0xD, s13;
	p0 =	por $0x0, $0x0;
	_ =	swait.ge [sflag:s23], $0x68  }
0x60: {  	s1 =	simm.s32 @!p0 $0x0;
	s0 =	sand.u32 @!p0 $0xE00, s28;
	[sflag:s23] =	ssyncset.done $0x0  }
.LBB2_2:
0x61: {  	s0 =	sshrl.u32 @!p0 s0, $0x2;
	[sflag:s23] =	ssyncadd.s32 $0xFFFFFF98  }
0x62: {  	s14 =	smov.u32 s28;
	s28 =	smov.u32 s29;
	s29 =	sadd.s32 $0x200, s29  }
0x63: {  	[tilespmem:s0], [sflag:$0x1] =	stream.linear.gather @!p0 [hbm4b:s31+s1], $0x68, $0x38;
	[tilespmem:$0xA00] =	vst v63  }
0x64: {  	p1 =	sne.s32 s29, $0xC600;
	s0 =	sadd.s32 $0xFFFFFA00, s14;
	_ =	swait.ge [sflag:s19], $0x68  }
.Ltmp0:
0x65: {  	s0 =	sand.u32 $0xE00, s0;
	[sflag:s19] =	ssyncset.done $0x0;
	(pc) =	sbr.rel @p1 .LBB2_2-.Ltmp0, $4  }
0x66: {  	s30 =	sadd.s32 $0x1, s30;
	s0 =	sshrl.u32 s0, $0x2;
	[sflag:s19] =	ssyncadd.s32 $0xFFFFFF98  }
0x67: {  	[spmem:s2] =	stream.indirect.scatter.add.f32 [tilespmem:s21], [sflag:$0x2], $0x1, s0, s20, $0xb8;
	[tilespmem:$0xA00] =	vst v63  }
0x68: {  	p0 =	sgt.u32 s30, $0x5C;
	s31 =	sadd.s32 $0xD, s31;
	_ =	swait.ge [sflag:s23], $0x68  }
0x69: {  	s1 =	simm.s32 @!p0 $0x0;
	s0 =	sand.u32 @!p0 $0xE00, s28;
	[sflag:s23] =	ssyncset.done $0x0  }
0x6a: {  	s0 =	sshrl.u32 @!p0 s0, $0x2;
	[sflag:s23] =	ssyncadd.s32 $0xFFFFFF98  }
0x6b: {  	[tilespmem:s0], [sflag:$0x1] =	stream.linear.gather @!p0 [hbm4b:s31+s1], $0x68, $0x38;
	[tilespmem:$0xA00] =	vst v63  }
0x6c: {  	s29 =	sadd.s32 $0xFFFFFA00, s28;
	_ =	swait.ge [sflag:s19], $0x68  }
0x6d: {  	s0 =	sand.u32 $0xE00, s29;
	[sflag:s19] =	ssyncset.done $0x0  }
0x6e: {  	s0 =	sshrl.u32 s0, $0x2;
	[sflag:s19] =	ssyncadd.s32 $0xFFFFFF98  }
0x6f: {  	[spmem:s2] =	stream.indirect.scatter.add.f32 [tilespmem:s21], [sflag:$0x2], $0x1, s0, s20, $0xb8;
	[tilespmem:$0xA00] =	vst v63  }
0x70: {  	_ =	swait.ge [sflag:s23], $0x68  }
0x71: {  	[sflag:s23] =	ssyncset.done $0x0  }
0x72: {  	[sflag:s23] =	ssyncadd.s32 $0xFFFFFF98  }
0x73: {  	_ =	swait.ge [sflag:s23], $0x68  }
0x74: {  	[sflag:s23] =	ssyncset.done $0x0  }
0x75: {  	[sflag:s23] =	ssyncadd.s32 $0xFFFFFF98  }
0x76: {  	_ =	swait.ge [sflag:s23], $0x68  }
0x77: {  	[sflag:s23] =	ssyncset.done $0x0  }
0x78: {  	[sflag:s23] =	ssyncadd.s32 $0xFFFFFF98  }
0x79: {  	[tilespmem:s24], [sflag:$0x3] =	stream.linear.gather [hbm4b:s8+s3], $0x10, $0x38;
	[tilespmem:$0xA00] =	vst v63  }
0x7a: {  	_ =	swait.ge [sflag:s15], $0x10  }
0x7b: {  	[sflag:s15] =	ssyncset.done $0x0  }
0x7c: {  	[sflag:s15] =	ssyncadd.s32 $0xFFFFFFF0  }
0x7d: {  	[spmem:s2] =	stream.indirect.scatter.add.f32 [tilespmem:s21], [sflag:$0x3], $0x1, s24, s25, $0xb8;
	[tilespmem:$0xA00] =	vst v63  }
0x7e: {  	s30 =	stileid.u32;
	_ =	swait.ge [sflag:s15], $0x10  }
0x7f: {  	s26 =	sadd.s32 $0x1, s26;
	s31 =	sshrl.u32 s5, $0x3;
	[sflag:s15] =	ssyncset.done $0x0  }
0x80: {  	p0 =	sne.s32 s26, s10;
	s0 =	sshll.u32 s30, $0x6;
	[sflag:s15] =	ssyncadd.s32 $0xFFFFFFF0  }
.Ltmp1:
0x81: {  	s0 =	sor.u32 $0x1C03, s0;
	[bflag:$0x0] =	sbarrier.arrive $0xFFFF;
	(pc) =	sbr.rel @p0 .LBB2_1-.Ltmp1, $4  }
0x82: {  	[hbm:s9], [sflag:s0] =	dma.local [spmem:s31], $0x50  }
0x83: {  	_ =	swait.ge [sflag:s15], $0x50  }
0x84: {  	[sflag:s15] =	ssyncset.done $0x0  }
0x85: {  	[sflag:s15] =	ssyncadd.s32 $0xFFFFFFB0  }
0x86: {  	_ =	sfence.sel $0x180000  }
0x87: {  	[bflag:$0x0] =	sbarrier.arrive $0xFFFF  }
0x88: {  	_ =	strace $0x90000047  }
0x89: {  	s0 =	stileid.u32;
	[bflag:$0x2] =	sbarrier.arrive $0xFFFF  }
0x8a: {  	p0 =	sne.s32 s0, $0x0;
	s0 =	rddreg [dreg:$0x3]  }
0x8b: {  	s0 =	sadd.s32 @!p0 $0x100000, s0  }
0x8c: {  	[sflag:s0] =	ssyncadd.tile.s32 @!p0 $0x1;
	_ =	shalt  }
.Lfunc_end2:
_tile_overlayer_lowered:
.L_overlay_start_2:
0x8d: {  	(tag) =	ssettag $0x2  }
0x8e: {  	s0 =	rddreg [dreg:$0x0];
	s2 =	stileid.u32  }
0x8f: {  	s1 =	rddreg [dreg:$0x1];
	p0 =	sne.s32 s2, $0x0  }
0x90: {  	s3 =	rddreg [dreg:$0x2];
	[bflag:$0x3] =	sbarrier.arrive $0xFFFF;
	s2 =	simm.s32 @!p0 $0x1C03  }
0x91: {  	[timem:s3], [sflag:s2] =	dma.local @!p0 [hbm:s0], s1  }
0x92: {  	s0 =	simm.s32 @!p0 $0x3  }
0x93: {  	_ =	swait.ge @!p0 [sflag:s0], s1  }
0x94: {  	s1 =	ssub.s32 @!p0 $0x0, s1;
	[sflag:s0] =	ssyncset.done @!p0 $0x0  }
0x95: {  	[sflag:s0] =	ssyncadd.s32 @!p0 s1  }
0x96: {  	[bflag:$0x3] =	sbarrier.arrive $0xFFFF  }
0x97: {  	_ =	shalt  }

// kernel: kernel.9.cloned.1.call-start
scs
__scs_entry_jumppad:
0x0: {  	(pc) =	sbr.rel $0x88, $3  }
0x1: {  	(tag) =	ssettag $0x0;
	lr =	simm.s32 $0x1  }
0x2: {  	[smem:$0x3F9F] =	sst lr;
	_ =	strace $0xD0000000  }
0x3: {  	_ = 	snop  }
0x4: {  	_ = 	snop  }
0x5: {  	_ = 	snop  }
0x6: {  	_ = 	snop  }
0x7: {  	_ = 	snop  }
__scs_overlays_trampoline_lowered:
0x8: {  	[smem:$0x3FAE] =	sst s0  }
0x9: {  	[smem:$0x3FAF] =	sst s1  }
0xa: {  	[smem:$0x3FB0] =	sst s2  }
0xb: {  	[smem:$0x3FB1] =	sst s3  }
0xc: {  	[smem:$0x3FB2] =	sst s4  }
0xd: {  	[smem:$0x3FB3] =	sst s5  }
0xe: {  	[smem:$0x3FB4] =	sst s6  }
0xf: {  	[smem:$0x3FB5] =	sst s7  }
0x10: {  	[smem:$0x3FB6] =	sst s8  }
0x11: {  	[smem:$0x3FB7] =	sst s9;
	s0 =	simm.s32 @!p0 $0x0  }
0x12: {  	s1 =	sld [smem:$0x3F9D];
	s0 =	simm.s32 @p0 $0x1  }
0x13: {  	[smem:$0x3FB8] =	sst s0;
	s0 =	simm.s32 @!p1 $0x0  }
0x14: {  	s2 =	sld [smem:$0x3F9C];
	s0 =	simm.s32 @p1 $0x1  }
0x15: {  	[smem:$0x3FB9] =	sst s0;
	s0 =	simm.s32 @!p2 $0x0  }
0x16: {  	s3 =	sld [smem:$0x3FDB];
	s0 =	simm.s32 @p2 $0x1  }
0x17: {  	s4 =	simm.s32 $0x1BF5;
	[smem:$0x3FBB] =	sst s0  }
0x18: {  	s0 =	sld [smem:$0x3F9E];
	_ =	swait.ge [sflag:s4], $0x0  }
0x19: {  	s7 =	sld [smem:$0x3F9F]  }
0x1a: {  	s8 =	sadd.s32 $0xFFFFE003, lr  }
0x1b: {  	s9 =	sadd.s32 $0xFFFFFEF7, lr;
	s5 =	simm.s32 $0xFFFFFFFF;
	p2 =	slt.u32 s8, $0xFFFFF086  }
0x1c: {  	p1 =	slt.u32 s9, $0xF7A;
	s5 =	simm.s32 @!p2 $0x0  }
0x1d: {  	s5 =	simm.s32 @p1 $0x1;
	p0 =	seq.s32 s7, s2  }
0x1e: {  	s7 =	smul.u32 @!p0 $0xF7A, s2;
	p2 =	seq.s32 @!p0 s5, $0x0  }
0x1f: {  	s9 =	smul.u32 $0xF7A, s1;
	s8 =	simm.s32 @!p0 $0x1BF5;
	p2 =	por !p2, p0  }
0x20: {  	[sflag:s8] =	ssyncset.s32 @!p0 $0xFFFFF086;
	s6 =	sadd.s32 @!p0 s3, s7;
	s7 =	simm.s32 @!p0 $0x108  }
0x21: {  	s3 =	sadd.s32 s3, s9;
	s6 =	sadd.s32 @!p0 $0x88, s6;
	s7 =	simm.s32 @p2 $0x1082  }
0x22: {  	[simem:s7], [sflag:s8] =	dma.local @!p0 [hbm:s6], $0xF7A  }
0x23: {  	s9 =	sor.u32 $0xD0000000, s2;
	s6 =	simm.s32 $0x108;
	_ =	swait.ge @!p0 [sflag:s8], $0x0  }
0x24: {  	s3 =	sadd.s32 $0x88, s3;
	s6 =	simm.s32 @!p1 $0x1082;
	[sflag:s4] =	ssyncset.s32 $0xFFFFF086  }
0x25: {  	[simem:s6], [sflag:s4] =	dma.local [hbm:s3], $0xF7A  }
0x26: {  	[smem:$0x3F9F] =	sst s1;
	(tag) =	ssettag s2;
	_ =	strace s9  }
0x27: {  	s1 =	sld [smem:$0x3FAF]  }
0x28: {  	s2 =	sld [smem:$0x3FB0]  }
0x29: {  	s4 =	sld [smem:$0x3FB2]  }
0x2a: {  	p0 =	seq.s32 s5, $0x0;
	s5 =	sld [smem:$0x3FB3]  }
0x2b: {  	s6 =	sld [smem:$0x3FB4]  }
0x2c: {  	s7 =	sld [smem:$0x3FB5]  }
0x2d: {  	s3 =	simm.s32 $0x108;
	s8 =	sld [smem:$0x3FB6]  }
0x2e: {  	s3 =	simm.s32 @!p0 $0x1082;
	s9 =	sld [smem:$0x3FB7]  }
0x2f: {  	lr =	sadd.s32 s0, s3;
	s0 =	sld [smem:$0x3FAE]  }
0x30: {  	s3 =	sld [smem:$0x3FB1]  }
0x31: {  	[smem:$0x3FBA] =	sst s10  }
0x32: {  	s10 =	sld [smem:$0x3FB8];
	_ =	sdelay $0x3  }
0x33: {  	p0 =	seq.s32 s10, $0x1;
	s10 =	sld [smem:$0x3FBA];
	_ =	sdelay $0x3  }
0x34: {  	[smem:$0x3FBA] =	sst s10  }
0x35: {  	s10 =	sld [smem:$0x3FB9];
	_ =	sdelay $0x3  }
0x36: {  	p1 =	seq.s32 s10, $0x1;
	s10 =	sld [smem:$0x3FBA];
	_ =	sdelay $0x3  }
0x37: {  	[smem:$0x3FBA] =	sst s10  }
0x38: {  	s10 =	sld [smem:$0x3FBB]  }
0x39: {  	_ = 	snop;
	(pc) =	sbr.ind lr, $3  }
0x3a: {  	_ = 	snop  }
0x3b: {  	_ = 	snop  }
0x3c: {  	p2 =	seq.s32 s10, $0x1;
	s10 =	sld [smem:$0x3FBA]  }
0x3d: {  	_ =	shalt  }
0x3e: {  	_ =	shalt  }
0x3f: {  	_ =	shalt  }
0x40: {  	_ =	shalt  }
0x41: {  	_ =	shalt  }
0x42: {  	_ =	shalt  }
0x43: {  	_ =	shalt  }
0x44: {  	_ =	shalt  }
0x45: {  	_ =	shalt  }
0x46: {  	_ =	shalt  }
0x47: {  	_ =	shalt  }
0x48: {  	_ =	shalt  }
0x49: {  	_ =	shalt  }
0x4a: {  	_ =	shalt  }
0x4b: {  	_ =	shalt  }
0x4c: {  	_ =	shalt  }
0x4d: {  	_ =	shalt  }
0x4e: {  	_ =	shalt  }
0x4f: {  	_ =	shalt  }
0x50: {  	_ =	shalt  }
0x51: {  	_ =	shalt  }
0x52: {  	_ =	shalt  }
0x53: {  	_ =	shalt  }
0x54: {  	_ =	shalt  }
0x55: {  	_ =	shalt  }
0x56: {  	_ =	shalt  }
0x57: {  	_ =	shalt  }
0x58: {  	_ =	shalt  }
0x59: {  	_ =	shalt  }
0x5a: {  	_ =	shalt  }
0x5b: {  	_ =	shalt  }
0x5c: {  	_ =	shalt  }
0x5d: {  	_ =	shalt  }
0x5e: {  	_ =	shalt  }
0x5f: {  	_ =	shalt  }
0x60: {  	_ =	shalt  }
0x61: {  	_ =	shalt  }
0x62: {  	_ =	shalt  }
0x63: {  	_ =	shalt  }
0x64: {  	_ =	shalt  }
0x65: {  	_ =	shalt  }
0x66: {  	_ =	shalt  }
0x67: {  	_ =	shalt  }
0x68: {  	_ =	shalt  }
0x69: {  	_ =	shalt  }
0x6a: {  	_ =	shalt  }
0x6b: {  	_ =	shalt  }
0x6c: {  	_ =	shalt  }
0x6d: {  	_ =	shalt  }
0x6e: {  	_ =	shalt  }
0x6f: {  	_ =	shalt  }
0x70: {  	_ =	shalt  }
0x71: {  	_ =	shalt  }
0x72: {  	_ =	shalt  }
0x73: {  	_ =	shalt  }
0x74: {  	_ =	shalt  }
0x75: {  	_ =	shalt  }
0x76: {  	_ =	shalt  }
0x77: {  	_ =	shalt  }
0x78: {  	_ =	shalt  }
0x79: {  	_ =	shalt  }
0x7a: {  	_ =	shalt  }
0x7b: {  	_ =	shalt  }
0x7c: {  	_ =	shalt  }
0x7d: {  	_ =	shalt  }
0x7e: {  	_ =	shalt  }
0x7f: {  	_ =	shalt  }
0x80: {  	_ =	shalt  }
0x81: {  	_ =	shalt  }
0x82: {  	_ =	shalt  }
0x83: {  	_ =	shalt  }
0x84: {  	_ =	shalt  }
0x85: {  	_ =	shalt  }
0x86: {  	_ =	shalt  }
0x87: {  	_ =	shalt  }
.Lfunc_end0:
.L_simem_size_0:
called_computation.1_lowered:
.L_overlay_start_0:
0x88: {  	s2 =	sld [smem:$0x3FD9]  }
0x89: {  	s3 =	sld [smem:$0x3FFE];
	_ =	sdelay $0x1  }
0x8a: {  	s1 =	srdreg.scid  }
0x8b: {  	s0 =	sand.u32 $0x1, s1  }
0x8c: {  	s17 =	sshll.u32 s0, $0xA;
	s2 =	sadd.s32 s3, s2  }
0x8d: {  	s2 =	sadd.s32 s2, s17  }
0x8e: {  	[smem:$0x3FC6] =	sst s2  }
0x8f: {  	_ = 	snop  }
0x90: {  	s2 =	sld [smem:$0x3FD0];
	(tm) =	ssettm $0x1  }
0x91: {  	s18 =	sld [smem:$0x3FFB];
	_ =	sdelay $0x3  }
0x92: {  	_ =	strace s18  }
0x93: {  	s3 =	sld [smem:$0x3FFC];
	_ =	sdelay $0x3  }
0x94: {  	_ =	strace s3  }
0x95: {  	s3 =	sld [smem:$0x3FFD];
	_ =	sdelay $0x3  }
0x96: {  	_ =	strace s3  }
0x97: {  	_ =	strace $0x8FFFFFFF  }
0x98: {  	s19 =	sld [smem:$0x3FDB];
	_ =	sdelay $0x1  }
0x99: {  	s4 =	simm.s32 $_scs_section_size  }
0x9a: {  	s5 =	simm.s32 $_size__tile_overlayer_lowered;
	s6 =	simm.s32 $_tile_overlayer_lowered  }
0x9b: {  	s22 =	simm.s32 $0x1BFF;
	s21 =	sshll.u32 s6, $0x1;
	s3 =	sadd.s32 s4, s19  }
0x9c: {  	s7 =	simm.s32 $0x0;
	s20 =	sshll.u32 s5, $0x1;
	s5 =	sadd.s32 s21, s3  }
0x9d: {  	[timem:s7], [sflag:s22] =	dma.local [hbm:s5], s20  }
0x9e: {  	_ =	swait.ge [sflag:s22], s20  }
0x9f: {  	s4 =	ssub.s32 $0x0, s20;
	[sflag:s22] =	ssyncset.done $0x0  }
0xa0: {  	[sflag:s22] =	ssyncadd.s32 s4;
	_ =	sdelay $0x1  }
0xa1: {  	s23 =	simm.s32 $0x1B8B  }
0xa2: {  	_ =	swait.ge [sflag:s23], $0x1  }
0xa3: {  	[sflag:s23] =	ssyncset.done $0x0  }
0xa4: {  	s25 =	simm.s32 $0x1B8E;
	s24 =	sld [smem:$0x3FFE];
	[sflag:s23] =	ssyncadd.s32 $0xFFFFFFFF  }
0xa5: {  	s26 =	simm.s32 $execute0_lowered;
	[smem:$0x3FD2] =	sst s25  }
0xa6: {  	s5 =	sshll.u32 s26, $0x1;
	_ =	strace $0x80000049;
	[dreg:$0x1] =	wrdreg $0xFFFFFFFF  }
0xa7: {  	s28 =	simm.s32 $_size_execute0_lowered;
	s3 =	sadd.s32 s3, s5;
	[dreg:$0x0] =	wrdreg $0x0  }
0xa8: {  	s5 =	sshll.u32 s28, $0x1;
	[dreg:$0x2] =	wrdreg s3  }
0xa9: {  	[dreg:$0x3] =	wrdreg s5  }
0xaa: {  	[dreg:$0x4] =	wrdreg $0xC0  }
0xab: {  	_ =	task [dreg:s7], $0x5FFFF  }
0xac: {  	[dreg:$0x1] =	wrdreg $0xFFFFFFFF  }
0xad: {  	[dreg:$0x0] =	wrdreg $0x60  }
0xae: {  	[dreg:$0x2] =	wrdreg s24  }
0xaf: {  	[dreg:$0x3] =	wrdreg s2  }
0xb0: {  	[dreg:$0x4] =	wrdreg $0xA5000  }
0xb1: {  	[dreg:$0x5] =	wrdreg $0x9  }
0xb2: {  	_ =	task.clear_ibuf [dreg:s7], $0x6FFFF;
	_ =	strace $0x90000049  }
0xb3: {  	s29 =	simm.s32 $0x9;
	_ =	strace $0x8000004B  }
0xb4: {  	_ =	swait.ge [sflag:s29], $0x1  }
0xb5: {  	[sflag:s29] =	ssyncadd.s32 $0xFFFFFFFF  }
0xb6: {  	_ =	strace $0x9000004B  }
0xb7: {  	_ =	sfence  }
0xb8: {  	s30 =	sld [smem:$0x0];
	_ =	sdelay $0x2  }
0xb9: {  	s31 =	sshll.u32 s1, $0xD;
	s1 =	sshrl.u32 s1, $0x2  }
0xba: {  	s3 =	sand.u32 $0x4000, s31;
	s1 =	sadd.s32 s1, s30  }
0xbb: {  	s0 =	sor.u32 s3, s0;
	s1 =	sshll.u32 s1, $0x11  }
0xbc: {  	s0 =	sor.u32 s1, s0  }
0xbd: {  	s0 =	sadd.s32 $0x8F2B, s0  }
0xbe: {  	[sflag:s0] =	ssyncadd.remote.s32 $0x1  }
0xbf: {  	_ =	sfence.sel $0xFFFF  }
0xc0: {  	[dreg:$0x0] =	wrdreg $0xFFFFFFFF;
	(pc) =	sbr.abs _section_cstart, $3  }
0xc1: {  	[dreg:$0x1] =	wrdreg $0xFFFFFFFF  }
0xc2: {  	_ =	task.clear_ibuf [dreg:s7], $0x2FFFF;
	_ =	strace $0x9FFFFFFF  }
0xc3: {  	(tm) =	ssettm $0x7FFFFFFF  }
tec
execute0_lowered:
.L_overlay_start_1:
0x0: {  	(tag) =	ssettag $0x1  }
0x1: {  	s0 =	rddreg [dreg:$0x0]  }
0x2: {  	s1 =	rddreg [dreg:$0x1];
	s3 =	srdreg.scid  }
0x3: {  	s12 =	stileid.u32;
	s2 =	rddreg [dreg:$0x2];
	s28 =	simm.s32 $0x900  }
0x4: {  	s30 =	simm.s32 $0x2;
	s31 =	simm.s32 $0x3;
	s6 =	smul.u32 $0x14000, s12  }
0x5: {  	s5 =	sand.u32 $0x1, s3;
	s3 =	simm.s32 $0x0;
	s11 =	smul.u32 $0x50000, s12  }
0x6: {  	s9 =	sadd.s32 $0x1600, s0;
	s20 =	sshll.u32 s12, $0x6;
	s13 =	smul.u32 $0x2710, s12  }
0x7: {  	s4 =	smul.u32 $0x140000, s5;
	[smem:$0x7FF] =	sst s3;
	s8 =	ssub.s32 $0x2, s5  }
0x8: {  	s10 =	sshll.u32 s5, $0x4;
	s5 =	smul.u32 $0x27100, s5;
	_ =	strace $0x8000004A  }
0x9: {  	s18 =	sshrl.u32 s8, $0x1;
	s10 =	sor.u32 s12, s10;
	s19 =	sshrl.u32 s11, $0x2  }
0xa: {  	s7 =	sadd.s32 s6, s4;
	s4 =	sadd.s32 $0xB400, s0;
	s8 =	ssub.s32 s8, s18  }
0xb: {  	s10 =	smul.u32 $0x2710, s10;
	s6 =	sshrl.u32 s6, $0x3;
	s5 =	sadd.s32 s13, s5  }
0xc: {  	s7 =	sshrl.u32 s7, $0x3;
	s6 =	sadd.s32 s4, s6;
	s5 =	sadd.s32 $0x138, s5  }
0xd: {  	s17 =	smax.u32 s8, $0x1;
	s0 =	sadd.s32 s7, s0;
	s7 =	sadd.s32 s19, s2  }
0xe: {  	[dreg:$0x5] =	wrdreg s6;
	s21 =	sshrl.u32 s10, $0x3;
	s10 =	sadd.s32 $0x68, s10  }
0xf: {  	s29 =	sshrl.u32 s5, $0x3;
	[dreg:$0x4] =	wrdreg s7;
	s7 =	sor.u32 $0x1C04, s20  }
0x10: {  	s22 =	sadd.s32 s9, s21;
	s23 =	sadd.s32 s1, s21;
	s24 =	sshrl.u32 s10, $0x3  }
0x11: {  	s14 =	sadd.s32 $0x1A, s21;
	s6 =	sadd.s32 $0x4E0, s21;
	s16 =	sadd.s32 $0x33400, s0  }
0x12: {  	s8 =	sadd.s32 s29, s1;
	s20 =	simm.s32 $0x4;
	[dreg:$0x6] =	wrdreg s22  }
0x13: {  	s21 =	simm.s32 $0x80;
	s0 =	simm.s32 $0x880;
	[dreg:$0x7] =	wrdreg s23  }
0x14: {  	s10 =	sadd.s32 s9, s24;
	s25 =	sadd.s32 s1, s24;
	s26 =	sadd.s32 s9, s14  }
0x15: {  	s13 =	sadd.s32 s1, s14;
	s14 =	sadd.s32 s9, s6;
	s15 =	sadd.s32 s1, s6  }
0x16: {  	s6 =	sadd.s32 s29, s9;
	s1 =	simm.s32 $0x800;
	[dreg:$0x8] =	wrdreg s10  }
0x17: {  	s22 =	simm.s32 $0x10;
	s23 =	simm.s32 $0x0;
	[dreg:$0x9] =	wrdreg s25  }
0x18: {  	[dreg:$0xa] =	wrdreg s26;
	s25 =	simm.s32 $0x1;
	s26 =	simm.s32 $0x68  }
.LBB2_1:
0x19: {  	s5 =	rddreg [dreg:$0x4]  }
0x1a: {  	s12 =	rddreg [dreg:$0x5];
	s24 =	sshrl.u32 s5, $0x3  }
0x1b: {  	[spmem:s24], [sflag:s7] =	dma.local [hbm:s12], $0x2800  }
0x1c: {  	_ =	swait.ge [sflag:s20], $0x2800  }
0x1d: {  	[sflag:s20] =	ssyncset.done $0x0  }
0x1e: {  	s18 =	rddreg [dreg:$0x6];
	[sflag:s20] =	ssyncadd.s32 $0xFFFFD800  }
0x1f: {  	[tilespmem:s3], [sflag:$0x1] =	stream.linear.gather [hbm4b:s18+s3], $0x68, $0x38;
	[tilespmem:$0x1E500] =	vst v63  }
0x20: {  	s29 =	simm.s32 $0x400;
	s19 =	rddreg [dreg:$0x7]  }
0x21: {  	[tilespmem:s29], [sflag:$0x1] =	stream.linear.gather [hbm4b:s19+s3], $0x68, $0x38;
	[tilespmem:$0x1E500] =	vst v63  }
0x22: {  	s9 =	rddreg [dreg:$0x8]  }
0x23: {  	[tilespmem:s21], [sflag:$0x1] =	stream.linear.gather [hbm4b:s9+s3], $0x68, $0x38;
	[tilespmem:$0x1E500] =	vst v63  }
0x24: {  	s10 =	rddreg [dreg:$0x9];
	s9 =	simm.s32 $0x480  }
0x25: {  	[tilespmem:s9], [sflag:$0x1] =	stream.linear.gather [hbm4b:s10+s3], $0x68, $0x38;
	[tilespmem:$0x1E500] =	vst v63  }
0x26: {  	s12 =	simm.s32 $0x100;
	s11 =	rddreg [dreg:$0xa]  }
0x27: {  	[tilespmem:s12], [sflag:$0x1] =	stream.linear.gather [hbm4b:s11+s3], $0x68, $0x38;
	[tilespmem:$0x1E500] =	vst v63  }
0x28: {  	s18 =	simm.s32 $0x500  }
0x29: {  	[tilespmem:s18], [sflag:$0x1] =	stream.linear.gather [hbm4b:s13+s3], $0x68, $0x38;
	[tilespmem:$0x1E500] =	vst v63  }
0x2a: {  	[bflag:$0x0] =	sbarrier.arrive $0xFFFF  }
0x2b: {  	_ =	swait.ge [sflag:s25], $0x68  }
0x2c: {  	[sflag:s25] =	ssyncset.done $0x0  }
0x2d: {  	[sflag:s25] =	ssyncadd.s32 $0xFFFFFF98  }
0x2e: {  	_ =	swait.ge [sflag:s25], $0x68  }
0x2f: {  	[sflag:s25] =	ssyncset.done $0x0  }
0x30: {  	[sflag:s25] =	ssyncadd.s32 $0xFFFFFF98  }
0x31: {  	[tilespmem:s28], [sflag:$0x2] =	stream.indirect.gather [hbm4b:s4+s26], $0x80, s3, s26, $0xb8;
	[tilespmem:$0x1E500] =	vst v63  }
0x32: {  	_ =	swait.ge [sflag:s25], $0x68  }
0x33: {  	[sflag:s25] =	ssyncset.done $0x0  }
0x34: {  	[sflag:s25] =	ssyncadd.s32 $0xFFFFFF98  }
0x35: {  	_ =	swait.ge [sflag:s25], $0x68  }
0x36: {  	[sflag:s25] =	ssyncset.done $0x0  }
0x37: {  	s5 =	simm.s32 $0x180;
	s19 =	simm.s32 $0x3D00;
	[sflag:s25] =	ssyncadd.s32 $0xFFFFFF98  }
0x38: {  	[tilespmem:s19], [sflag:$0x2] =	stream.indirect.gather [hbm4b:s4+s26], $0x80, s21, s26, $0xb8;
	[tilespmem:$0x1E500] =	vst v63  }
0x39: {  	s9 =	simm.s32 $0x0;
	s18 =	smov.u32 s8;
	s19 =	smov.u32 s6  }
.LBB2_2:
0x3a: {  	p0 =	sgt.u32 s9, $0x5C  }
0x3b: {  	s12 =	smul.u32 $0xAB, s9;
	s10 =	sand.u32 @!p0 $0x380, s5;
	s11 =	simm.s32 @!p0 $0x0  }
0x3c: {  	[tilespmem:s10], [sflag:$0x1] =	stream.linear.gather @!p0 [hbm4b:s19+s11], $0x68, $0x38;
	[tilespmem:$0x1E500] =	vst v63  }
0x3d: {  	s12 =	sshrl.u32 s12, $0x9  }
0x3e: {  	s12 =	sand.u32 $0x7F, s12  }
0x3f: {  	s10 =	sor.u32 @!p0 $0x400, s10;
	s12 =	smul.u32 $0x3, s12  }
0x40: {  	[tilespmem:s10], [sflag:$0x1] =	stream.linear.gather @!p0 [hbm4b:s18+s11], $0x68, $0x38;
	[tilespmem:$0x1E500] =	vst v63  }
0x41: {  	s11 =	ssub.s32 s9, s12  }
0x42: {  	s10 =	sand.u32 $0xFF, s11  }
0x43: {  	s12 =	sadd.s32 $0xFFFFFC00, s29;
	s10 =	smul.u32 $0xD000, s10  }
0x44: {  	p0 =	seq.s32 s9, $0x0;
	_ =	swait.ge [sflag:s30], $0x3400;
	s11 =	sand.u32 $0xE00, s12  }
0x45: {  	[sflag:s30] =	ssyncset.done $0x0;
	s11 =	sshrl.u32 s11, $0x2;
	s10 =	sshrl.u32 s10, $0x2  }
0x46: {  	[sflag:s30] =	ssyncadd.s32 $0xFFFFCC00;
	s11 =	sor.u32 $0x400, s11;
	s10 =	sadd.s32 $0x900, s10  }
0x47: {  	[spmem:s2] =	stream.indirect.scatter.add.f32 [tilespmem:s10], [sflag:$0x3], $0x80, s11, s26, $0xb8;
	[tilespmem:$0x1E500] =	vst v63  }
0x48: {  	s10 =	simm.s32 @!p0 $0x3  }
0x49: {  	p1 =	sgt.u32 @!p0 s9, $0x5D;
	_ =	swait.ge @!p0 [sflag:s10], $0x3400  }
0x4a: {  	p1 =	por p0, !p1;
	[sflag:s10] =	ssyncset.done @!p0 $0x0  }
0x4b: {  	[sflag:s10] =	ssyncadd.s32 @!p0 $0xFFFFCC00;
	s10 =	sadd.s32 @p1 $0x2, s9  }
0x4c: {  	s11 =	smul.u32 @p1 $0xAB, s10;
	_ =	sdelay $0x1  }
0x4d: {  	s11 =	sshrl.u32 @p1 s11, $0x9  }
0x4e: {  	s11 =	sand.u32 @p1 $0x7F, s11  }
0x4f: {  	s11 =	smul.u32 @p1 $0x3, s11;
	_ =	sdelay $0x1  }
0x50: {  	_ =	swait.ge @p1 [sflag:s25], $0x68;
	s10 =	ssub.s32 @p1 s10, s11  }
0x51: {  	s9 =	sadd.s32 $0x1, s9;
	[sflag:s25] =	ssyncset.done @p1 $0x0;
	s10 =	sand.u32 @p1 $0xFF, s10  }
0x52: {  	p0 =	sne.s32 s9, $0x60;
	[sflag:s25] =	ssyncadd.s32 @p1 $0xFFFFFF98;
	s10 =	smul.u32 @p1 $0xD000, s10  }
.Ltmp0:
0x53: {  	s5 =	sadd.s32 $0x80, s5;
	_ =	swait.ge @p1 [sflag:s25], $0x68;
	(pc) =	sbr.rel @p0 .LBB2_2-.Ltmp0, $4  }
0x54: {  	s19 =	sadd.s32 $0xD, s19;
	s18 =	sadd.s32 $0xD, s18;
	[sflag:s25] =	ssyncset.done @p1 $0x0  }
0x55: {  	[sflag:s25] =	ssyncadd.s32 @p1 $0xFFFFFF98;
	s11 =	sand.u32 @p1 $0xE00, s29;
	s10 =	sshrl.u32 @p1 s10, $0x2  }
0x56: {  	s29 =	sadd.s32 $0x200, s29;
	s11 =	sshrl.u32 @p1 s11, $0x2;
	s10 =	sadd.s32 @p1 $0x900, s10  }
0x57: {  	[tilespmem:s10], [sflag:$0x2] =	stream.indirect.gather @p1 [hbm4b:s4+s26], $0x80, s11, s26, $0xb8;
	[tilespmem:$0x1E500] =	vst v63  }
0x58: {  	_ =	swait.ge [sflag:s31], $0x3400  }
0x59: {  	[sflag:s31] =	ssyncset.done $0x0  }
0x5a: {  	[sflag:s31] =	ssyncadd.s32 $0xFFFFCC00  }
0x5b: {  	[tilespmem:s1], [sflag:$0x4] =	stream.linear.gather [hbm4b:s14+s3], $0x10, $0x38;
	[tilespmem:$0x1E500] =	vst v63  }
0x5c: {  	_ =	swait.ge [sflag:s20], $0x10  }
0x5d: {  	[sflag:s20] =	ssyncset.done $0x0  }
0x5e: {  	[sflag:s20] =	ssyncadd.s32 $0xFFFFFFF0  }
0x5f: {  	[tilespmem:s0], [sflag:$0x4] =	stream.linear.gather [hbm4b:s15+s3], $0x10, $0x38;
	[tilespmem:$0x1E500] =	vst v63  }
0x60: {  	_ =	swait.ge [sflag:s20], $0x10  }
0x61: {  	[sflag:s20] =	ssyncset.done $0x0  }
0x62: {  	[sflag:s20] =	ssyncadd.s32 $0xFFFFFFF0  }
0x63: {  	[tilespmem:s28], [sflag:$0x2] =	stream.indirect.gather [hbm4b:s4+s22], $0x80, s1, s22, $0xb8;
	[tilespmem:$0x1E500] =	vst v63  }
0x64: {  	_ =	swait.ge [sflag:s30], $0x800  }
0x65: {  	[sflag:s30] =	ssyncset.done $0x0  }
0x66: {  	[sflag:s30] =	ssyncadd.s32 $0xFFFFF800  }
0x67: {  	[spmem:s2] =	stream.indirect.scatter.add.f32 [tilespmem:s28], [sflag:$0x4], $0x80, s0, s22, $0xb8;
	[tilespmem:$0x1E500] =	vst v63  }
0x68: {  	_ =	swait.ge [sflag:s20], $0x800  }
0x69: {  	s23 =	sadd.s32 $0x1, s23;
	[sflag:s20] =	ssyncset.done $0x0  }
0x6a: {  	p0 =	sne.s32 s23, s17;
	[sflag:s20] =	ssyncadd.s32 $0xFFFFF800  }
.Ltmp1:
0x6b: {  	[bflag:$0x0] =	sbarrier.arrive $0xFFFF;
	(pc) =	sbr.rel @p0 .LBB2_1-.Ltmp1, $4  }
0x6c: {  	[hbm:s16], [sflag:s7] =	dma.local [spmem:s24], $0x2800  }
0x6d: {  	_ =	swait.ge [sflag:s20], $0x2800  }
0x6e: {  	[sflag:s20] =	ssyncset.done $0x0  }
0x6f: {  	[sflag:s20] =	ssyncadd.s32 $0xFFFFD800  }
0x70: {  	_ =	sfence.sel $0x180000  }
0x71: {  	[bflag:$0x0] =	sbarrier.arrive $0xFFFF  }
0x72: {  	_ =	strace $0x9000004A  }
0x73: {  	s0 =	stileid.u32;
	[bflag:$0x2] =	sbarrier.arrive $0xFFFF  }
0x74: {  	p0 =	sne.s32 s0, $0x0;
	s0 =	rddreg [dreg:$0x3]  }
0x75: {  	s0 =	sadd.s32 @!p0 $0x100000, s0  }
0x76: {  	[sflag:s0] =	ssyncadd.tile.s32 @!p0 $0x1;
	_ =	shalt  }
.Lfunc_end2:
_tile_overlayer_lowered:
.L_overlay_start_2:
0x77: {  	(tag) =	ssettag $0x2  }
0x78: {  	s0 =	rddreg [dreg:$0x0];
	s2 =	stileid.u32  }
0x79: {  	s1 =	rddreg [dreg:$0x1];
	p0 =	sne.s32 s2, $0x0  }
0x7a: {  	s3 =	rddreg [dreg:$0x2];
	[bflag:$0x3] =	sbarrier.arrive $0xFFFF;
	s2 =	simm.s32 @!p0 $0x1C04  }
0x7b: {  	[timem:s3], [sflag:s2] =	dma.local @!p0 [hbm:s0], s1  }
0x7c: {  	s0 =	simm.s32 @!p0 $0x4  }
0x7d: {  	_ =	swait.ge @!p0 [sflag:s0], s1  }
0x7e: {  	s1 =	ssub.s32 @!p0 $0x0, s1;
	[sflag:s0] =	ssyncset.done @!p0 $0x0  }
0x7f: {  	[sflag:s0] =	ssyncadd.s32 @!p0 s1  }
0x80: {  	[bflag:$0x3] =	sbarrier.arrive $0xFFFF  }
0x81: {  	_ =	shalt  }

</sc_bundles>
